<compile_context>
chip_gen: v7x
topology: tpu7x:2x2x1
jax: 0.10.2.dev20260603
libtpu: 0.0.44.dev20260713+nightly
codegen_flags: <defaults>
</compile_context>

<pallas_src>
import functools

import jax
import jax.numpy as jnp
from jax import lax
from jax.experimental import pallas as pl
from jax.experimental.pallas import tpu as pltpu
from jax.experimental.pallas import tpu_sc as plsc

D = 128


def _make_sc_gather(B):
  info = plsc.get_sparse_core_info()
  NC, NS = info.num_cores, info.num_subcores
  NW = NC * NS
  assert B % (8 * NW) == 0
  b_per_w = B // NW
  CH = 128
  n_ch = b_per_w // CH
  NBUF = 4
  n_jobs = 2 * n_ch
  mesh = plsc.VectorSubcoreMesh(core_axis_name="c", subcore_axis_name="s")

  out_type = (
      jax.ShapeDtypeStruct((B, D), jnp.float32),
      jax.ShapeDtypeStruct((B, D), jnp.float32),
  )

  @functools.partial(
      pl.kernel,
      mesh=mesh,
      out_type=out_type,
      scratch_types=(
          [pltpu.VMEM((b_per_w,), jnp.int32) for _ in range(2)]
          + [pltpu.VMEM((CH, D), jnp.float32) for _ in range(NBUF)]
          + [pltpu.SemaphoreType.DMA for _ in range(2 * NBUF)]
      ),
      compiler_params=pltpu.CompilerParams(use_tc_tiling_on_sc=True),
  )
  def gather(uidx, iidx, ut, it, uout, iout,
             uidx_v, iidx_v, b0, b1, b2, b3, *sems):
    bufs = (b0, b1, b2, b3)
    gsem = sems[:NBUF]
    ssem = sems[NBUF:]
    wid = lax.axis_index("s") * NC + lax.axis_index("c")
    base = wid * b_per_w
    pltpu.sync_copy(uidx.at[pl.ds(base, b_per_w)], uidx_v)
    pltpu.sync_copy(iidx.at[pl.ds(base, b_per_w)], iidx_v)

    def job(j):
      if j < n_ch:
        return uidx_v, ut, uout, j * CH
      return iidx_v, it, iout, (j - n_ch) * CH

    gd = [None] * NBUF
    sd = [None] * NBUF
    for k in range(NBUF):
      idx_v, tab, _, off = job(k)
      gd[k] = pltpu.make_async_copy(tab.at[idx_v.at[pl.ds(off, CH)]],
                                    bufs[k], gsem[k])
      gd[k].start()
    for j in range(n_jobs):
      b = j % NBUF
      _, _, out, off = job(j)
      gd[b].wait()
      sd[b] = pltpu.make_async_copy(bufs[b], out.at[pl.ds(base + off, CH)],
                                    ssem[b])
      sd[b].start()
      nj = j + NBUF
      if nj < n_jobs:
        sd[b].wait()
        idx_v, tab, _, noff = job(nj)
        gd[b] = pltpu.make_async_copy(tab.at[idx_v.at[pl.ds(noff, CH)]],
                                      bufs[b], gsem[b])
        gd[b].start()
    for b in range(NBUF):
      sd[b].wait()

  return gather


_DN_T = (((0,), (0,)), ((), ()))


def _mlp_body(u_ref, i_ref, a_ref, g_ref, c_ref, p_ref,
              at_ref, gt_ref, ct_ref,
              w1_ref, b1r,
              w2, b2r, w3, b3r, w4, b4r, o_ref):
  f32 = jnp.float32
  T = u_ref.shape[0]

  def onehot_emb(idx_ref, tab_ref):
    n = tab_ref.shape[0]
    iot = lax.broadcasted_iota(jnp.int32, (n, T), 0)
    oh = (iot == idx_ref[0]).astype(f32)
    return lax.dot_general(oh, tab_ref[...], _DN_T,
                           preferred_element_type=f32)

  w1 = w1_ref[...]
  h = jnp.dot(u_ref[...], w1[0:128], preferred_element_type=f32)
  h = h + jnp.dot(i_ref[...], w1[128:256], preferred_element_type=f32)
  h = h + jnp.dot(onehot_emb(a_ref, at_ref), w1[256:320],
                  preferred_element_type=f32)
  h = h + jnp.dot(onehot_emb(g_ref, gt_ref), w1[320:352],
                  preferred_element_type=f32)
  h = h + jnp.dot(onehot_emb(c_ref, ct_ref), w1[352:416],
                  preferred_element_type=f32)
  h = h + lax.dot_general(p_ref[0] * (1.0 / 1000.0), w1[416:417], _DN_T,
                          preferred_element_type=f32)
  h = jnp.maximum(h + b1r[...], 0.0)
  h = jnp.maximum(jnp.dot(h, w2[...], preferred_element_type=f32) + b2r[...],
                  0.0)
  h = jnp.maximum(jnp.dot(h, w3[...], preferred_element_type=f32) + b3r[...],
                  0.0)
  lo = lax.dot_general(w4[...], h, (((0,), (1,)), ((), ())),
                       preferred_element_type=f32) + b4r[...]
  o_ref[...] = lo.reshape(T)


def kernel(user_id, age, gender, item_id, category, price,
           user_table, item_table, age_table, gender_table, cat_table,
           W1, b1, W2, b2, W3, b3, W4, b4):
  B = user_id.shape[0]

  uidx = user_id.reshape(B).astype(jnp.int32)
  iidx = item_id.reshape(B).astype(jnp.int32)

  u_emb, i_emb = _make_sc_gather(B)(uidx, iidx, user_table, item_table)

  TILE = 2048
  G = B // TILE
  grid = (G,)

  def tile_spec(w):
    return pl.BlockSpec((TILE, w), lambda i: (i, 0))

  def lane_spec():
    return pl.BlockSpec((1, 1, TILE), lambda i: (i, 0, 0))

  def full_spec(a):
    r, c = a.shape
    return pl.BlockSpec((r, c), lambda i: (0, 0))

  def lanes(x):
    return x.reshape(G, 1, TILE)

  b1r = b1.reshape(1, -1)
  b2r = b2.reshape(1, -1)
  b3r = b3.reshape(1, -1)
  b4r = b4.reshape(1, -1)

  out = pl.pallas_call(
      _mlp_body,
      grid=grid,
      in_specs=[
          tile_spec(D), tile_spec(D),
          lane_spec(), lane_spec(), lane_spec(), lane_spec(),
          full_spec(age_table), full_spec(gender_table), full_spec(cat_table),
          full_spec(W1), full_spec(b1r),
          full_spec(W2), full_spec(b2r),
          full_spec(W3), full_spec(b3r),
          full_spec(W4), full_spec(b4r),
      ],
      out_specs=pl.BlockSpec((TILE,), lambda i: (i,)),
      out_shape=jax.ShapeDtypeStruct((B,), jnp.float32),
      compiler_params=pltpu.CompilerParams(
          dimension_semantics=("parallel",)),
  )(u_emb, i_emb, lanes(age), lanes(gender), lanes(category), lanes(price),
    age_table, gender_table, cat_table,
    W1, b1r, W2, b2r, W3, b3r, W4, b4r)

  return out

# --- scband reference (transcript-rebuilt; emitter-appended) ---
"""Pipeline reference for scband-fine-ranking-model-76570676953468 (READ-ONLY COPY).

The authoritative reference and input builder live on the scoring server;
editing this copy changes nothing except your own understanding.
"""

import jax, jax.numpy as jnp
import numpy as np

B = 16384
NUM_USERS = 1000000
NUM_ITEMS = 100000
NUM_AGES = 100
NUM_GENDERS = 3
NUM_CATS = 1000
D = 128
INPUT_DIM = D * 2 + (D // 2) * 2 + (D // 4) + 1  # 417


def setup_inputs(seed: int = 0) -> dict:
    key = jax.random.key(seed)
    ks = jax.random.split(key, 20)
    inp = {}
    inp["user_id"] = jax.random.randint(ks[0], (B, 1), 0, NUM_USERS, dtype=jnp.int32).astype(jnp.int64) if False else jax.random.randint(ks[0], (B, 1), 0, NUM_USERS)
    inp["age"] = jax.random.randint(ks[1], (B, 1), 0, NUM_AGES)
    inp["gender"] = jax.random.randint(ks[2], (B, 1), 0, NUM_GENDERS)
    inp["item_id"] = jax.random.randint(ks[3], (B, 1), 0, NUM_ITEMS)
    inp["category"] = jax.random.randint(ks[4], (B, 1), 0, NUM_CATS)
    inp["price"] = jax.random.uniform(ks[5], (B, 1), dtype=jnp.float32)
    # learned parameters
    inp["user_table"] = jax.random.normal(ks[6], (NUM_USERS, D), dtype=jnp.float32) * 0.02
    inp["item_table"] = jax.random.normal(ks[7], (NUM_ITEMS, D), dtype=jnp.float32) * 0.02
    inp["age_table"] = jax.random.normal(ks[8], (NUM_AGES, D // 2), dtype=jnp.float32) * 0.02
    inp["gender_table"] = jax.random.normal(ks[9], (NUM_GENDERS, D // 4), dtype=jnp.float32) * 0.02
    inp["cat_table"] = jax.random.normal(ks[10], (NUM_CATS, D // 2), dtype=jnp.float32) * 0.02
    inp["W1"] = jax.random.normal(ks[11], (INPUT_DIM, 256), dtype=jnp.float32) * (1.0 / np.sqrt(INPUT_DIM))
    inp["b1"] = jnp.zeros((256,), dtype=jnp.float32)
    inp["W2"] = jax.random.normal(ks[12], (256, 128), dtype=jnp.float32) * (1.0 / np.sqrt(256))
    inp["b2"] = jnp.zeros((128,), dtype=jnp.float32)
    inp["W3"] = jax.random.normal(ks[13], (128, 64), dtype=jnp.float32) * (1.0 / np.sqrt(128))
    inp["b3"] = jnp.zeros((64,), dtype=jnp.float32)
    inp["W4"] = jax.random.normal(ks[14], (64, 1), dtype=jnp.float32) * (1.0 / np.sqrt(64))
    inp["b4"] = jnp.zeros((1,), dtype=jnp.float32)
    return inp


def reference(user_id, age, gender, item_id, category, price,
              user_table, item_table, age_table, gender_table, cat_table,
              W1, b1, W2, b2, W3, b3, W4, b4):
    # Embedding lookups (shape [B,1] -> gather -> squeeze(1))
    user_emb = jnp.take(user_table, user_id[:, 0], axis=0)
    item_emb = jnp.take(item_table, item_id[:, 0], axis=0)
    age_emb = jnp.take(age_table, age[:, 0], axis=0)
    gender_emb = jnp.take(gender_table, gender[:, 0], axis=0)
    cat_emb = jnp.take(cat_table, category[:, 0], axis=0)
    features = jnp.concatenate([user_emb, item_emb, age_emb, gender_emb, cat_emb, price / 1000.0], axis=1)
    # MLP (dropout = identity in eval mode)
    h = jax.nn.relu(features @ W1 + b1)
    h = jax.nn.relu(h @ W2 + b2)
    h = jax.nn.relu(h @ W3 + b3)
    logit = (h @ W4 + b4)[:, 0]
    return logit

if __name__ == "__main__":
    import jax
    _d = setup_inputs()
    print(jax.jit(kernel)(*tuple(_d.values())))

</pallas_src>

<mosaic_0001>
#map = affine_map<(d0, d1) -> (0)>
#map1 = affine_map<(d0, d1) -> (0, 0)>
module attributes {stable_mosaic.version = 14 : i64} {
  func.func @gather(%arg0: i32, %arg1: i32, %arg2: memref<16384xi32, #tpu.memory_space<hbm>>, %arg3: memref<16384xi32, #tpu.memory_space<hbm>>, %arg4: memref<1000000x128xf32, #tpu.memory_space<hbm>>, %arg5: memref<100000x128xf32, #tpu.memory_space<hbm>>, %arg6: memref<16384x128xf32, #tpu.memory_space<hbm>>, %arg7: memref<16384x128xf32, #tpu.memory_space<hbm>>, %arg8: memref<512xi32, #tpu.memory_space<vmem>>, %arg9: memref<512xi32, #tpu.memory_space<vmem>>, %arg10: memref<128x128xf32, #tpu.memory_space<vmem>>, %arg11: memref<128x128xf32, #tpu.memory_space<vmem>>, %arg12: memref<128x128xf32, #tpu.memory_space<vmem>>, %arg13: memref<128x128xf32, #tpu.memory_space<vmem>>, %arg14: memref<!tpu.dma_semaphore, #tpu.memory_space<semaphore_mem>>, %arg15: memref<!tpu.dma_semaphore, #tpu.memory_space<semaphore_mem>>, %arg16: memref<!tpu.dma_semaphore, #tpu.memory_space<semaphore_mem>>, %arg17: memref<!tpu.dma_semaphore, #tpu.memory_space<semaphore_mem>>, %arg18: memref<!tpu.dma_semaphore, #tpu.memory_space<semaphore_mem>>, %arg19: memref<!tpu.dma_semaphore, #tpu.memory_space<semaphore_mem>>, %arg20: memref<!tpu.dma_semaphore, #tpu.memory_space<semaphore_mem>>, %arg21: memref<!tpu.dma_semaphore, #tpu.memory_space<semaphore_mem>>) attributes {dimension_semantics = [#tpu.dimension_semantics<core_parallel>, #tpu.dimension_semantics<subcore_parallel>], iteration_bounds = array<i64: 2, 16>, scalar_prefetch = 0 : i64, scratch_operands = 14 : i64, tpu.core_type = #tpu.core_type<sc_vector_subcore>, window_params = [{transform_indices = #map}, {transform_indices = #map}, {transform_indices = #map1}, {transform_indices = #map1}, {transform_indices = #map1}, {transform_indices = #map1}]} {
    %mul3A = arith.constant 2 : i32
    %mul3A_0 = arith.muli %arg1, %mul3A : i32
    %add3A = arith.addi %mul3A_0, %arg0 : i32
    %mul3A_1 = arith.constant 512 : i32
    %mul3A_2 = arith.muli %add3A, %mul3A_1 : i32
    "tpu.region"() ({
      %run_scoped3A = tpu.sem_alloc : memref<!tpu.dma_semaphore, #tpu.memory_space<semaphore_mem>>
      %dma_start3A_161 = tpu.memref_slice %arg2[%mul3A_2] : memref<16384xi32, #tpu.memory_space<hbm>> -> memref<512xi32, #tpu.memory_space<hbm>>
      %dma_start3A_162 = tpu.memref_slice %arg2[%mul3A_2] : memref<16384xi32, #tpu.memory_space<hbm>> -> memref<512xi32, #tpu.memory_space<hbm>>
      tpu.enqueue_dma source(%dma_start3A_162 : memref<512xi32, #tpu.memory_space<hbm>>) target(%arg8 : memref<512xi32, #tpu.memory_space<vmem>>) target_semaphore(%run_scoped3A : memref<!tpu.dma_semaphore, #tpu.memory_space<semaphore_mem>>)
      %dma_wait3A_163 = tpu.memref_slice %arg2[%mul3A_2] : memref<16384xi32, #tpu.memory_space<hbm>> -> memref<512xi32, #tpu.memory_space<hbm>>
      %dma_wait3A_164 = tpu.memref_slice %arg2[%mul3A_2] : memref<16384xi32, #tpu.memory_space<hbm>> -> memref<512xi32, #tpu.memory_space<hbm>>
      tpu.wait_dma2 semaphore(%run_scoped3A : memref<!tpu.dma_semaphore, #tpu.memory_space<semaphore_mem>>) src(%dma_wait3A_164 : memref<512xi32, #tpu.memory_space<hbm>>) dst(%arg8 : memref<512xi32, #tpu.memory_space<vmem>>)
      tpu.yield
    }) : () -> ()
    "tpu.region"() ({
      %run_scoped3A = tpu.sem_alloc : memref<!tpu.dma_semaphore, #tpu.memory_space<semaphore_mem>>
      %dma_start3A_161 = tpu.memref_slice %arg3[%mul3A_2] : memref<16384xi32, #tpu.memory_space<hbm>> -> memref<512xi32, #tpu.memory_space<hbm>>
      %dma_start3A_162 = tpu.memref_slice %arg3[%mul3A_2] : memref<16384xi32, #tpu.memory_space<hbm>> -> memref<512xi32, #tpu.memory_space<hbm>>
      tpu.enqueue_dma source(%dma_start3A_162 : memref<512xi32, #tpu.memory_space<hbm>>) target(%arg9 : memref<512xi32, #tpu.memory_space<vmem>>) target_semaphore(%run_scoped3A : memref<!tpu.dma_semaphore, #tpu.memory_space<semaphore_mem>>)
      %dma_wait3A_163 = tpu.memref_slice %arg3[%mul3A_2] : memref<16384xi32, #tpu.memory_space<hbm>> -> memref<512xi32, #tpu.memory_space<hbm>>
      %dma_wait3A_164 = tpu.memref_slice %arg3[%mul3A_2] : memref<16384xi32, #tpu.memory_space<hbm>> -> memref<512xi32, #tpu.memory_space<hbm>>
      tpu.wait_dma2 semaphore(%run_scoped3A : memref<!tpu.dma_semaphore, #tpu.memory_space<semaphore_mem>>) src(%dma_wait3A_164 : memref<512xi32, #tpu.memory_space<hbm>>) dst(%arg9 : memref<512xi32, #tpu.memory_space<vmem>>)
      tpu.yield
    }) : () -> ()
    %dma_start3A = arith.constant 0 : i32
    %dma_start3A_3 = tpu.memref_slice %arg8[%dma_start3A] : memref<512xi32, #tpu.memory_space<vmem>> -> memref<128xi32, #tpu.memory_space<vmem>>
    %dma_start3A_4 = arith.constant 0 : i32
    %dma_start3A_5 = arith.constant 0 : i32
    %dma_start3A_6 = tpu.memref_slice %arg4[%dma_start3A_4, %dma_start3A_5] : memref<1000000x128xf32, #tpu.memory_space<hbm>> -> memref<1000000x128xf32, #tpu.memory_space<hbm>>
    tpu.enqueue_indirect_dma source(%dma_start3A_6 : memref<1000000x128xf32, #tpu.memory_space<hbm>>) target(%arg10 : memref<128x128xf32, #tpu.memory_space<vmem>>) offsets(%dma_start3A_3 : memref<128xi32, #tpu.memory_space<vmem>>) semaphore(%arg14 : memref<!tpu.dma_semaphore, #tpu.memory_space<semaphore_mem>>)
    %dma_start3A_7 = arith.constant 128 : i32
    %dma_start3A_8 = tpu.memref_slice %arg8[%dma_start3A_7] : memref<512xi32, #tpu.memory_space<vmem>> -> memref<128xi32, #tpu.memory_space<vmem>>
    %dma_start3A_9 = arith.constant 0 : i32
    %dma_start3A_10 = arith.constant 0 : i32
    %dma_start3A_11 = tpu.memref_slice %arg4[%dma_start3A_9, %dma_start3A_10] : memref<1000000x128xf32, #tpu.memory_space<hbm>> -> memref<1000000x128xf32, #tpu.memory_space<hbm>>
    tpu.enqueue_indirect_dma source(%dma_start3A_11 : memref<1000000x128xf32, #tpu.memory_space<hbm>>) target(%arg11 : memref<128x128xf32, #tpu.memory_space<vmem>>) offsets(%dma_start3A_8 : memref<128xi32, #tpu.memory_space<vmem>>) semaphore(%arg15 : memref<!tpu.dma_semaphore, #tpu.memory_space<semaphore_mem>>)
    %dma_start3A_12 = arith.constant 256 : i32
    %dma_start3A_13 = tpu.memref_slice %arg8[%dma_start3A_12] : memref<512xi32, #tpu.memory_space<vmem>> -> memref<128xi32, #tpu.memory_space<vmem>>
    %dma_start3A_14 = arith.constant 0 : i32
    %dma_start3A_15 = arith.constant 0 : i32
    %dma_start3A_16 = tpu.memref_slice %arg4[%dma_start3A_14, %dma_start3A_15] : memref<1000000x128xf32, #tpu.memory_space<hbm>> -> memref<1000000x128xf32, #tpu.memory_space<hbm>>
    tpu.enqueue_indirect_dma source(%dma_start3A_16 : memref<1000000x128xf32, #tpu.memory_space<hbm>>) target(%arg12 : memref<128x128xf32, #tpu.memory_space<vmem>>) offsets(%dma_start3A_13 : memref<128xi32, #tpu.memory_space<vmem>>) semaphore(%arg16 : memref<!tpu.dma_semaphore, #tpu.memory_space<semaphore_mem>>)
    %dma_start3A_17 = arith.constant 384 : i32
    %dma_start3A_18 = tpu.memref_slice %arg8[%dma_start3A_17] : memref<512xi32, #tpu.memory_space<vmem>> -> memref<128xi32, #tpu.memory_space<vmem>>
    %dma_start3A_19 = arith.constant 0 : i32
    %dma_start3A_20 = arith.constant 0 : i32
    %dma_start3A_21 = tpu.memref_slice %arg4[%dma_start3A_19, %dma_start3A_20] : memref<1000000x128xf32, #tpu.memory_space<hbm>> -> memref<1000000x128xf32, #tpu.memory_space<hbm>>
    tpu.enqueue_indirect_dma source(%dma_start3A_21 : memref<1000000x128xf32, #tpu.memory_space<hbm>>) target(%arg13 : memref<128x128xf32, #tpu.memory_space<vmem>>) offsets(%dma_start3A_18 : memref<128xi32, #tpu.memory_space<vmem>>) semaphore(%arg17 : memref<!tpu.dma_semaphore, #tpu.memory_space<semaphore_mem>>)
    %dma_wait3A = arith.constant 0 : i32
    %dma_wait3A_22 = tpu.memref_slice %arg8[%dma_wait3A] : memref<512xi32, #tpu.memory_space<vmem>> -> memref<128xi32, #tpu.memory_space<vmem>>
    %dma_wait3A_23 = arith.constant 0 : i32
    %dma_wait3A_24 = arith.constant 0 : i32
    %dma_wait3A_25 = tpu.memref_slice %arg4[%dma_wait3A_23, %dma_wait3A_24] : memref<1000000x128xf32, #tpu.memory_space<hbm>> -> memref<1000000x128xf32, #tpu.memory_space<hbm>>
    tpu.wait_indirect_dma semaphore(%arg14 : memref<!tpu.dma_semaphore, #tpu.memory_space<semaphore_mem>>) src(%dma_wait3A_25 : memref<1000000x128xf32, #tpu.memory_space<hbm>>) dst(%arg10 : memref<128x128xf32, #tpu.memory_space<vmem>>)
    %add3A_26 = arith.constant 0 : i32
    %add3A_27 = arith.addi %mul3A_2, %add3A_26 : i32
    %dma_start3A_28 = arith.constant 0 : i32
    %dma_start3A_29 = tpu.memref_slice %arg6[%add3A_27, %dma_start3A_28] : memref<16384x128xf32, #tpu.memory_space<hbm>> -> memref<128x128xf32, #tpu.memory_space<hbm>>
    %dma_start3A_30 = arith.constant 0 : i32
    %dma_start3A_31 = tpu.memref_slice %arg6[%add3A_27, %dma_start3A_30] : memref<16384x128xf32, #tpu.memory_space<hbm>> -> memref<128x128xf32, #tpu.memory_space<hbm>>
    tpu.enqueue_dma source(%arg10 : memref<128x128xf32, #tpu.memory_space<vmem>>) target(%dma_start3A_31 : memref<128x128xf32, #tpu.memory_space<hbm>>) target_semaphore(%arg18 : memref<!tpu.dma_semaphore, #tpu.memory_space<semaphore_mem>>)
    %dma_wait3A_32 = arith.constant 0 : i32
    %dma_wait3A_33 = tpu.memref_slice %arg6[%add3A_27, %dma_wait3A_32] : memref<16384x128xf32, #tpu.memory_space<hbm>> -> memref<128x128xf32, #tpu.memory_space<hbm>>
    %dma_wait3A_34 = arith.constant 0 : i32
    %dma_wait3A_35 = tpu.memref_slice %arg6[%add3A_27, %dma_wait3A_34] : memref<16384x128xf32, #tpu.memory_space<hbm>> -> memref<128x128xf32, #tpu.memory_space<hbm>>
    tpu.wait_dma2 semaphore(%arg18 : memref<!tpu.dma_semaphore, #tpu.memory_space<semaphore_mem>>) src(%arg10 : memref<128x128xf32, #tpu.memory_space<vmem>>) dst(%dma_wait3A_35 : memref<128x128xf32, #tpu.memory_space<hbm>>)
    %dma_start3A_36 = arith.constant 0 : i32
    %dma_start3A_37 = tpu.memref_slice %arg9[%dma_start3A_36] : memref<512xi32, #tpu.memory_space<vmem>> -> memref<128xi32, #tpu.memory_space<vmem>>
    %dma_start3A_38 = arith.constant 0 : i32
    %dma_start3A_39 = arith.constant 0 : i32
    %dma_start3A_40 = tpu.memref_slice %arg5[%dma_start3A_38, %dma_start3A_39] : memref<100000x128xf32, #tpu.memory_space<hbm>> -> memref<100000x128xf32, #tpu.memory_space<hbm>>
    tpu.enqueue_indirect_dma source(%dma_start3A_40 : memref<100000x128xf32, #tpu.memory_space<hbm>>) target(%arg10 : memref<128x128xf32, #tpu.memory_space<vmem>>) offsets(%dma_start3A_37 : memref<128xi32, #tpu.memory_space<vmem>>) semaphore(%arg14 : memref<!tpu.dma_semaphore, #tpu.memory_space<semaphore_mem>>)
    %dma_wait3A_41 = arith.constant 128 : i32
    %dma_wait3A_42 = tpu.memref_slice %arg8[%dma_wait3A_41] : memref<512xi32, #tpu.memory_space<vmem>> -> memref<128xi32, #tpu.memory_space<vmem>>
    %dma_wait3A_43 = arith.constant 0 : i32
    %dma_wait3A_44 = arith.constant 0 : i32
    %dma_wait3A_45 = tpu.memref_slice %arg4[%dma_wait3A_43, %dma_wait3A_44] : memref<1000000x128xf32, #tpu.memory_space<hbm>> -> memref<1000000x128xf32, #tpu.memory_space<hbm>>
    tpu.wait_indirect_dma semaphore(%arg15 : memref<!tpu.dma_semaphore, #tpu.memory_space<semaphore_mem>>) src(%dma_wait3A_45 : memref<1000000x128xf32, #tpu.memory_space<hbm>>) dst(%arg11 : memref<128x128xf32, #tpu.memory_space<vmem>>)
    %add3A_46 = arith.constant 128 : i32
    %add3A_47 = arith.addi %mul3A_2, %add3A_46 : i32
    %dma_start3A_48 = arith.constant 0 : i32
    %dma_start3A_49 = tpu.memref_slice %arg6[%add3A_47, %dma_start3A_48] : memref<16384x128xf32, #tpu.memory_space<hbm>> -> memref<128x128xf32, #tpu.memory_space<hbm>>
    %dma_start3A_50 = arith.constant 0 : i32
    %dma_start3A_51 = tpu.memref_slice %arg6[%add3A_47, %dma_start3A_50] : memref<16384x128xf32, #tpu.memory_space<hbm>> -> memref<128x128xf32, #tpu.memory_space<hbm>>
    tpu.enqueue_dma source(%arg11 : memref<128x128xf32, #tpu.memory_space<vmem>>) target(%dma_start3A_51 : memref<128x128xf32, #tpu.memory_space<hbm>>) target_semaphore(%arg19 : memref<!tpu.dma_semaphore, #tpu.memory_space<semaphore_mem>>)
    %dma_wait3A_52 = arith.constant 0 : i32
    %dma_wait3A_53 = tpu.memref_slice %arg6[%add3A_47, %dma_wait3A_52] : memref<16384x128xf32, #tpu.memory_space<hbm>> -> memref<128x128xf32, #tpu.memory_space<hbm>>
    %dma_wait3A_54 = arith.constant 0 : i32
    %dma_wait3A_55 = tpu.memref_slice %arg6[%add3A_47, %dma_wait3A_54] : memref<16384x128xf32, #tpu.memory_space<hbm>> -> memref<128x128xf32, #tpu.memory_space<hbm>>
    tpu.wait_dma2 semaphore(%arg19 : memref<!tpu.dma_semaphore, #tpu.memory_space<semaphore_mem>>) src(%arg11 : memref<128x128xf32, #tpu.memory_space<vmem>>) dst(%dma_wait3A_55 : memref<128x128xf32, #tpu.memory_space<hbm>>)
    %dma_start3A_56 = arith.constant 128 : i32
    %dma_start3A_57 = tpu.memref_slice %arg9[%dma_start3A_56] : memref<512xi32, #tpu.memory_space<vmem>> -> memref<128xi32, #tpu.memory_space<vmem>>
    %dma_start3A_58 = arith.constant 0 : i32
    %dma_start3A_59 = arith.constant 0 : i32
    %dma_start3A_60 = tpu.memref_slice %arg5[%dma_start3A_58, %dma_start3A_59] : memref<100000x128xf32, #tpu.memory_space<hbm>> -> memref<100000x128xf32, #tpu.memory_space<hbm>>
    tpu.enqueue_indirect_dma source(%dma_start3A_60 : memref<100000x128xf32, #tpu.memory_space<hbm>>) target(%arg11 : memref<128x128xf32, #tpu.memory_space<vmem>>) offsets(%dma_start3A_57 : memref<128xi32, #tpu.memory_space<vmem>>) semaphore(%arg15 : memref<!tpu.dma_semaphore, #tpu.memory_space<semaphore_mem>>)
    %dma_wait3A_61 = arith.constant 256 : i32
    %dma_wait3A_62 = tpu.memref_slice %arg8[%dma_wait3A_61] : memref<512xi32, #tpu.memory_space<vmem>> -> memref<128xi32, #tpu.memory_space<vmem>>
    %dma_wait3A_63 = arith.constant 0 : i32
    %dma_wait3A_64 = arith.constant 0 : i32
    %dma_wait3A_65 = tpu.memref_slice %arg4[%dma_wait3A_63, %dma_wait3A_64] : memref<1000000x128xf32, #tpu.memory_space<hbm>> -> memref<1000000x128xf32, #tpu.memory_space<hbm>>
    tpu.wait_indirect_dma semaphore(%arg16 : memref<!tpu.dma_semaphore, #tpu.memory_space<semaphore_mem>>) src(%dma_wait3A_65 : memref<1000000x128xf32, #tpu.memory_space<hbm>>) dst(%arg12 : memref<128x128xf32, #tpu.memory_space<vmem>>)
    %add3A_66 = arith.constant 256 : i32
    %add3A_67 = arith.addi %mul3A_2, %add3A_66 : i32
    %dma_start3A_68 = arith.constant 0 : i32
    %dma_start3A_69 = tpu.memref_slice %arg6[%add3A_67, %dma_start3A_68] : memref<16384x128xf32, #tpu.memory_space<hbm>> -> memref<128x128xf32, #tpu.memory_space<hbm>>
    %dma_start3A_70 = arith.constant 0 : i32
    %dma_start3A_71 = tpu.memref_slice %arg6[%add3A_67, %dma_start3A_70] : memref<16384x128xf32, #tpu.memory_space<hbm>> -> memref<128x128xf32, #tpu.memory_space<hbm>>
    tpu.enqueue_dma source(%arg12 : memref<128x128xf32, #tpu.memory_space<vmem>>) target(%dma_start3A_71 : memref<128x128xf32, #tpu.memory_space<hbm>>) target_semaphore(%arg20 : memref<!tpu.dma_semaphore, #tpu.memory_space<semaphore_mem>>)
    %dma_wait3A_72 = arith.constant 0 : i32
    %dma_wait3A_73 = tpu.memref_slice %arg6[%add3A_67, %dma_wait3A_72] : memref<16384x128xf32, #tpu.memory_space<hbm>> -> memref<128x128xf32, #tpu.memory_space<hbm>>
    %dma_wait3A_74 = arith.constant 0 : i32
    %dma_wait3A_75 = tpu.memref_slice %arg6[%add3A_67, %dma_wait3A_74] : memref<16384x128xf32, #tpu.memory_space<hbm>> -> memref<128x128xf32, #tpu.memory_space<hbm>>
    tpu.wait_dma2 semaphore(%arg20 : memref<!tpu.dma_semaphore, #tpu.memory_space<semaphore_mem>>) src(%arg12 : memref<128x128xf32, #tpu.memory_space<vmem>>) dst(%dma_wait3A_75 : memref<128x128xf32, #tpu.memory_space<hbm>>)
    %dma_start3A_76 = arith.constant 256 : i32
    %dma_start3A_77 = tpu.memref_slice %arg9[%dma_start3A_76] : memref<512xi32, #tpu.memory_space<vmem>> -> memref<128xi32, #tpu.memory_space<vmem>>
    %dma_start3A_78 = arith.constant 0 : i32
    %dma_start3A_79 = arith.constant 0 : i32
    %dma_start3A_80 = tpu.memref_slice %arg5[%dma_start3A_78, %dma_start3A_79] : memref<100000x128xf32, #tpu.memory_space<hbm>> -> memref<100000x128xf32, #tpu.memory_space<hbm>>
    tpu.enqueue_indirect_dma source(%dma_start3A_80 : memref<100000x128xf32, #tpu.memory_space<hbm>>) target(%arg12 : memref<128x128xf32, #tpu.memory_space<vmem>>) offsets(%dma_start3A_77 : memref<128xi32, #tpu.memory_space<vmem>>) semaphore(%arg16 : memref<!tpu.dma_semaphore, #tpu.memory_space<semaphore_mem>>)
    %dma_wait3A_81 = arith.constant 384 : i32
    %dma_wait3A_82 = tpu.memref_slice %arg8[%dma_wait3A_81] : memref<512xi32, #tpu.memory_space<vmem>> -> memref<128xi32, #tpu.memory_space<vmem>>
    %dma_wait3A_83 = arith.constant 0 : i32
    %dma_wait3A_84 = arith.constant 0 : i32
    %dma_wait3A_85 = tpu.memref_slice %arg4[%dma_wait3A_83, %dma_wait3A_84] : memref<1000000x128xf32, #tpu.memory_space<hbm>> -> memref<1000000x128xf32, #tpu.memory_space<hbm>>
    tpu.wait_indirect_dma semaphore(%arg17 : memref<!tpu.dma_semaphore, #tpu.memory_space<semaphore_mem>>) src(%dma_wait3A_85 : memref<1000000x128xf32, #tpu.memory_space<hbm>>) dst(%arg13 : memref<128x128xf32, #tpu.memory_space<vmem>>)
    %add3A_86 = arith.constant 384 : i32
    %add3A_87 = arith.addi %mul3A_2, %add3A_86 : i32
    %dma_start3A_88 = arith.constant 0 : i32
    %dma_start3A_89 = tpu.memref_slice %arg6[%add3A_87, %dma_start3A_88] : memref<16384x128xf32, #tpu.memory_space<hbm>> -> memref<128x128xf32, #tpu.memory_space<hbm>>
    %dma_start3A_90 = arith.constant 0 : i32
    %dma_start3A_91 = tpu.memref_slice %arg6[%add3A_87, %dma_start3A_90] : memref<16384x128xf32, #tpu.memory_space<hbm>> -> memref<128x128xf32, #tpu.memory_space<hbm>>
    tpu.enqueue_dma source(%arg13 : memref<128x128xf32, #tpu.memory_space<vmem>>) target(%dma_start3A_91 : memref<128x128xf32, #tpu.memory_space<hbm>>) target_semaphore(%arg21 : memref<!tpu.dma_semaphore, #tpu.memory_space<semaphore_mem>>)
    %dma_wait3A_92 = arith.constant 0 : i32
    %dma_wait3A_93 = tpu.memref_slice %arg6[%add3A_87, %dma_wait3A_92] : memref<16384x128xf32, #tpu.memory_space<hbm>> -> memref<128x128xf32, #tpu.memory_space<hbm>>
    %dma_wait3A_94 = arith.constant 0 : i32
    %dma_wait3A_95 = tpu.memref_slice %arg6[%add3A_87, %dma_wait3A_94] : memref<16384x128xf32, #tpu.memory_space<hbm>> -> memref<128x128xf32, #tpu.memory_space<hbm>>
    tpu.wait_dma2 semaphore(%arg21 : memref<!tpu.dma_semaphore, #tpu.memory_space<semaphore_mem>>) src(%arg13 : memref<128x128xf32, #tpu.memory_space<vmem>>) dst(%dma_wait3A_95 : memref<128x128xf32, #tpu.memory_space<hbm>>)
    %dma_start3A_96 = arith.constant 384 : i32
    %dma_start3A_97 = tpu.memref_slice %arg9[%dma_start3A_96] : memref<512xi32, #tpu.memory_space<vmem>> -> memref<128xi32, #tpu.memory_space<vmem>>
    %dma_start3A_98 = arith.constant 0 : i32
    %dma_start3A_99 = arith.constant 0 : i32
    %dma_start3A_100 = tpu.memref_slice %arg5[%dma_start3A_98, %dma_start3A_99] : memref<100000x128xf32, #tpu.memory_space<hbm>> -> memref<100000x128xf32, #tpu.memory_space<hbm>>
    tpu.enqueue_indirect_dma source(%dma_start3A_100 : memref<100000x128xf32, #tpu.memory_space<hbm>>) target(%arg13 : memref<128x128xf32, #tpu.memory_space<vmem>>) offsets(%dma_start3A_97 : memref<128xi32, #tpu.memory_space<vmem>>) semaphore(%arg17 : memref<!tpu.dma_semaphore, #tpu.memory_space<semaphore_mem>>)
    %dma_wait3A_101 = arith.constant 0 : i32
    %dma_wait3A_102 = tpu.memref_slice %arg9[%dma_wait3A_101] : memref<512xi32, #tpu.memory_space<vmem>> -> memref<128xi32, #tpu.memory_space<vmem>>
    %dma_wait3A_103 = arith.constant 0 : i32
    %dma_wait3A_104 = arith.constant 0 : i32
    %dma_wait3A_105 = tpu.memref_slice %arg5[%dma_wait3A_103, %dma_wait3A_104] : memref<100000x128xf32, #tpu.memory_space<hbm>> -> memref<100000x128xf32, #tpu.memory_space<hbm>>
    tpu.wait_indirect_dma semaphore(%arg14 : memref<!tpu.dma_semaphore, #tpu.memory_space<semaphore_mem>>) src(%dma_wait3A_105 : memref<100000x128xf32, #tpu.memory_space<hbm>>) dst(%arg10 : memref<128x128xf32, #tpu.memory_space<vmem>>)
    %add3A_106 = arith.constant 0 : i32
    %add3A_107 = arith.addi %mul3A_2, %add3A_106 : i32
    %dma_start3A_108 = arith.constant 0 : i32
    %dma_start3A_109 = tpu.memref_slice %arg7[%add3A_107, %dma_start3A_108] : memref<16384x128xf32, #tpu.memory_space<hbm>> -> memref<128x128xf32, #tpu.memory_space<hbm>>
    %dma_start3A_110 = arith.constant 0 : i32
    %dma_start3A_111 = tpu.memref_slice %arg7[%add3A_107, %dma_start3A_110] : memref<16384x128xf32, #tpu.memory_space<hbm>> -> memref<128x128xf32, #tpu.memory_space<hbm>>
    tpu.enqueue_dma source(%arg10 : memref<128x128xf32, #tpu.memory_space<vmem>>) target(%dma_start3A_111 : memref<128x128xf32, #tpu.memory_space<hbm>>) target_semaphore(%arg18 : memref<!tpu.dma_semaphore, #tpu.memory_space<semaphore_mem>>)
    %dma_wait3A_112 = arith.constant 128 : i32
    %dma_wait3A_113 = tpu.memref_slice %arg9[%dma_wait3A_112] : memref<512xi32, #tpu.memory_space<vmem>> -> memref<128xi32, #tpu.memory_space<vmem>>
    %dma_wait3A_114 = arith.constant 0 : i32
    %dma_wait3A_115 = arith.constant 0 : i32
    %dma_wait3A_116 = tpu.memref_slice %arg5[%dma_wait3A_114, %dma_wait3A_115] : memref<100000x128xf32, #tpu.memory_space<hbm>> -> memref<100000x128xf32, #tpu.memory_space<hbm>>
    tpu.wait_indirect_dma semaphore(%arg15 : memref<!tpu.dma_semaphore, #tpu.memory_space<semaphore_mem>>) src(%dma_wait3A_116 : memref<100000x128xf32, #tpu.memory_space<hbm>>) dst(%arg11 : memref<128x128xf32, #tpu.memory_space<vmem>>)
    %add3A_117 = arith.constant 128 : i32
    %add3A_118 = arith.addi %mul3A_2, %add3A_117 : i32
    %dma_start3A_119 = arith.constant 0 : i32
    %dma_start3A_120 = tpu.memref_slice %arg7[%add3A_118, %dma_start3A_119] : memref<16384x128xf32, #tpu.memory_space<hbm>> -> memref<128x128xf32, #tpu.memory_space<hbm>>
    %dma_start3A_121 = arith.constant 0 : i32
    %dma_start3A_122 = tpu.memref_slice %arg7[%add3A_118, %dma_start3A_121] : memref<16384x128xf32, #tpu.memory_space<hbm>> -> memref<128x128xf32, #tpu.memory_space<hbm>>
    tpu.enqueue_dma source(%arg11 : memref<128x128xf32, #tpu.memory_space<vmem>>) target(%dma_start3A_122 : memref<128x128xf32, #tpu.memory_space<hbm>>) target_semaphore(%arg19 : memref<!tpu.dma_semaphore, #tpu.memory_space<semaphore_mem>>)
    %dma_wait3A_123 = arith.constant 256 : i32
    %dma_wait3A_124 = tpu.memref_slice %arg9[%dma_wait3A_123] : memref<512xi32, #tpu.memory_space<vmem>> -> memref<128xi32, #tpu.memory_space<vmem>>
    %dma_wait3A_125 = arith.constant 0 : i32
    %dma_wait3A_126 = arith.constant 0 : i32
    %dma_wait3A_127 = tpu.memref_slice %arg5[%dma_wait3A_125, %dma_wait3A_126] : memref<100000x128xf32, #tpu.memory_space<hbm>> -> memref<100000x128xf32, #tpu.memory_space<hbm>>
    tpu.wait_indirect_dma semaphore(%arg16 : memref<!tpu.dma_semaphore, #tpu.memory_space<semaphore_mem>>) src(%dma_wait3A_127 : memref<100000x128xf32, #tpu.memory_space<hbm>>) dst(%arg12 : memref<128x128xf32, #tpu.memory_space<vmem>>)
    %add3A_128 = arith.constant 256 : i32
    %add3A_129 = arith.addi %mul3A_2, %add3A_128 : i32
    %dma_start3A_130 = arith.constant 0 : i32
    %dma_start3A_131 = tpu.memref_slice %arg7[%add3A_129, %dma_start3A_130] : memref<16384x128xf32, #tpu.memory_space<hbm>> -> memref<128x128xf32, #tpu.memory_space<hbm>>
    %dma_start3A_132 = arith.constant 0 : i32
    %dma_start3A_133 = tpu.memref_slice %arg7[%add3A_129, %dma_start3A_132] : memref<16384x128xf32, #tpu.memory_space<hbm>> -> memref<128x128xf32, #tpu.memory_space<hbm>>
    tpu.enqueue_dma source(%arg12 : memref<128x128xf32, #tpu.memory_space<vmem>>) target(%dma_start3A_133 : memref<128x128xf32, #tpu.memory_space<hbm>>) target_semaphore(%arg20 : memref<!tpu.dma_semaphore, #tpu.memory_space<semaphore_mem>>)
    %dma_wait3A_134 = arith.constant 384 : i32
    %dma_wait3A_135 = tpu.memref_slice %arg9[%dma_wait3A_134] : memref<512xi32, #tpu.memory_space<vmem>> -> memref<128xi32, #tpu.memory_space<vmem>>
    %dma_wait3A_136 = arith.constant 0 : i32
    %dma_wait3A_137 = arith.constant 0 : i32
    %dma_wait3A_138 = tpu.memref_slice %arg5[%dma_wait3A_136, %dma_wait3A_137] : memref<100000x128xf32, #tpu.memory_space<hbm>> -> memref<100000x128xf32, #tpu.memory_space<hbm>>
    tpu.wait_indirect_dma semaphore(%arg17 : memref<!tpu.dma_semaphore, #tpu.memory_space<semaphore_mem>>) src(%dma_wait3A_138 : memref<100000x128xf32, #tpu.memory_space<hbm>>) dst(%arg13 : memref<128x128xf32, #tpu.memory_space<vmem>>)
    %add3A_139 = arith.constant 384 : i32
    %add3A_140 = arith.addi %mul3A_2, %add3A_139 : i32
    %dma_start3A_141 = arith.constant 0 : i32
    %dma_start3A_142 = tpu.memref_slice %arg7[%add3A_140, %dma_start3A_141] : memref<16384x128xf32, #tpu.memory_space<hbm>> -> memref<128x128xf32, #tpu.memory_space<hbm>>
    %dma_start3A_143 = arith.constant 0 : i32
    %dma_start3A_144 = tpu.memref_slice %arg7[%add3A_140, %dma_start3A_143] : memref<16384x128xf32, #tpu.memory_space<hbm>> -> memref<128x128xf32, #tpu.memory_space<hbm>>
    tpu.enqueue_dma source(%arg13 : memref<128x128xf32, #tpu.memory_space<vmem>>) target(%dma_start3A_144 : memref<128x128xf32, #tpu.memory_space<hbm>>) target_semaphore(%arg21 : memref<!tpu.dma_semaphore, #tpu.memory_space<semaphore_mem>>)
    %dma_wait3A_145 = arith.constant 0 : i32
    %dma_wait3A_146 = tpu.memref_slice %arg7[%add3A_107, %dma_wait3A_145] : memref<16384x128xf32, #tpu.memory_space<hbm>> -> memref<128x128xf32, #tpu.memory_space<hbm>>
    %dma_wait3A_147 = arith.constant 0 : i32
    %dma_wait3A_148 = tpu.memref_slice %arg7[%add3A_107, %dma_wait3A_147] : memref<16384x128xf32, #tpu.memory_space<hbm>> -> memref<128x128xf32, #tpu.memory_space<hbm>>
    tpu.wait_dma2 semaphore(%arg18 : memref<!tpu.dma_semaphore, #tpu.memory_space<semaphore_mem>>) src(%arg10 : memref<128x128xf32, #tpu.memory_space<vmem>>) dst(%dma_wait3A_148 : memref<128x128xf32, #tpu.memory_space<hbm>>)
    %dma_wait3A_149 = arith.constant 0 : i32
    %dma_wait3A_150 = tpu.memref_slice %arg7[%add3A_118, %dma_wait3A_149] : memref<16384x128xf32, #tpu.memory_space<hbm>> -> memref<128x128xf32, #tpu.memory_space<hbm>>
    %dma_wait3A_151 = arith.constant 0 : i32
    %dma_wait3A_152 = tpu.memref_slice %arg7[%add3A_118, %dma_wait3A_151] : memref<16384x128xf32, #tpu.memory_space<hbm>> -> memref<128x128xf32, #tpu.memory_space<hbm>>
    tpu.wait_dma2 semaphore(%arg19 : memref<!tpu.dma_semaphore, #tpu.memory_space<semaphore_mem>>) src(%arg11 : memref<128x128xf32, #tpu.memory_space<vmem>>) dst(%dma_wait3A_152 : memref<128x128xf32, #tpu.memory_space<hbm>>)
    %dma_wait3A_153 = arith.constant 0 : i32
    %dma_wait3A_154 = tpu.memref_slice %arg7[%add3A_129, %dma_wait3A_153] : memref<16384x128xf32, #tpu.memory_space<hbm>> -> memref<128x128xf32, #tpu.memory_space<hbm>>
    %dma_wait3A_155 = arith.constant 0 : i32
    %dma_wait3A_156 = tpu.memref_slice %arg7[%add3A_129, %dma_wait3A_155] : memref<16384x128xf32, #tpu.memory_space<hbm>> -> memref<128x128xf32, #tpu.memory_space<hbm>>
    tpu.wait_dma2 semaphore(%arg20 : memref<!tpu.dma_semaphore, #tpu.memory_space<semaphore_mem>>) src(%arg12 : memref<128x128xf32, #tpu.memory_space<vmem>>) dst(%dma_wait3A_156 : memref<128x128xf32, #tpu.memory_space<hbm>>)
    %dma_wait3A_157 = arith.constant 0 : i32
    %dma_wait3A_158 = tpu.memref_slice %arg7[%add3A_140, %dma_wait3A_157] : memref<16384x128xf32, #tpu.memory_space<hbm>> -> memref<128x128xf32, #tpu.memory_space<hbm>>
    %dma_wait3A_159 = arith.constant 0 : i32
    %dma_wait3A_160 = tpu.memref_slice %arg7[%add3A_140, %dma_wait3A_159] : memref<16384x128xf32, #tpu.memory_space<hbm>> -> memref<128x128xf32, #tpu.memory_space<hbm>>
    tpu.wait_dma2 semaphore(%arg21 : memref<!tpu.dma_semaphore, #tpu.memory_space<semaphore_mem>>) src(%arg13 : memref<128x128xf32, #tpu.memory_space<vmem>>) dst(%dma_wait3A_160 : memref<128x128xf32, #tpu.memory_space<hbm>>)
    return
  }
}

module attributes {stable_mosaic.version = 14 : i64} {
  func.func @_mlp_body(%arg0: i32, %arg1: memref<2048x128xf32, #tpu.memory_space<vmem>>, %arg2: memref<2048x128xf32, #tpu.memory_space<vmem>>, %arg3: memref<1x1x2048xi32, #tpu.memory_space<vmem>>, %arg4: memref<1x1x2048xi32, #tpu.memory_space<vmem>>, %arg5: memref<1x1x2048xi32, #tpu.memory_space<vmem>>, %arg6: memref<1x1x2048xf32, #tpu.memory_space<vmem>>, %arg7: memref<100x64xf32, #tpu.memory_space<vmem>>, %arg8: memref<3x32xf32, #tpu.memory_space<vmem>>, %arg9: memref<1000x64xf32, #tpu.memory_space<vmem>>, %arg10: memref<417x256xf32, #tpu.memory_space<vmem>>, %arg11: memref<1x256xf32, #tpu.memory_space<vmem>>, %arg12: memref<256x128xf32, #tpu.memory_space<vmem>>, %arg13: memref<1x128xf32, #tpu.memory_space<vmem>>, %arg14: memref<128x64xf32, #tpu.memory_space<vmem>>, %arg15: memref<1x64xf32, #tpu.memory_space<vmem>>, %arg16: memref<64x1xf32, #tpu.memory_space<vmem>>, %arg17: memref<1x1xf32, #tpu.memory_space<vmem>>, %arg18: memref<2048xf32, #tpu.memory_space<vmem>>) attributes {dimension_semantics = [#tpu.dimension_semantics<parallel>], iteration_bounds = array<i64: 8>, scalar_prefetch = 0 : i64, scratch_operands = 0 : i64, tpu.core_type = #tpu.core_type<tc>, window_params = [{transform_indices = @transform_0, window_bounds = array<i64: 2048, 128>}, {transform_indices = @transform_1, window_bounds = array<i64: 2048, 128>}, {transform_indices = @transform_2, window_bounds = array<i64: 1, 1, 2048>}, {transform_indices = @transform_3, window_bounds = array<i64: 1, 1, 2048>}, {transform_indices = @transform_4, window_bounds = array<i64: 1, 1, 2048>}, {transform_indices = @transform_5, window_bounds = array<i64: 1, 1, 2048>}, {pipeline_mode = #tpu.pipeline_mode<synchronous>, transform_indices = @transform_6, window_bounds = array<i64: 100, 64>}, {pipeline_mode = #tpu.pipeline_mode<synchronous>, transform_indices = @transform_7, window_bounds = array<i64: 3, 32>}, {pipeline_mode = #tpu.pipeline_mode<synchronous>, transform_indices = @transform_8, window_bounds = array<i64: 1000, 64>}, {pipeline_mode = #tpu.pipeline_mode<synchronous>, transform_indices = @transform_9, window_bounds = array<i64: 417, 256>}, {pipeline_mode = #tpu.pipeline_mode<synchronous>, transform_indices = @transform_10, window_bounds = array<i64: 1, 256>}, {pipeline_mode = #tpu.pipeline_mode<synchronous>, transform_indices = @transform_11, window_bounds = array<i64: 256, 128>}, {pipeline_mode = #tpu.pipeline_mode<synchronous>, transform_indices = @transform_12, window_bounds = array<i64: 1, 128>}, {pipeline_mode = #tpu.pipeline_mode<synchronous>, transform_indices = @transform_13, window_bounds = array<i64: 128, 64>}, {pipeline_mode = #tpu.pipeline_mode<synchronous>, transform_indices = @transform_14, window_bounds = array<i64: 1, 64>}, {pipeline_mode = #tpu.pipeline_mode<synchronous>, transform_indices = @transform_15, window_bounds = array<i64: 64, 1>}, {pipeline_mode = #tpu.pipeline_mode<synchronous>, transform_indices = @transform_16, window_bounds = array<i64: 1, 1>}, {transform_indices = @transform_17, window_bounds = array<i64: 2048>}]} {
    %get3A = arith.constant 0 : index
    %get3A_0 = arith.constant 0 : index
    %get3A_1 = vector.load %arg10[%get3A, %get3A_0] : memref<417x256xf32, #tpu.memory_space<vmem>>, vector<417x256xf32>
    %get3A_2 = arith.constant 0 : index
    %get3A_3 = arith.constant 0 : index
    %get3A_4 = vector.load %arg1[%get3A_2, %get3A_3] : memref<2048x128xf32, #tpu.memory_space<vmem>>, vector<2048x128xf32>
    %slice3A = vector.extract_strided_slice %get3A_1 {offsets = [0, 0], sizes = [128, 256], strides = [1, 1]} : vector<417x256xf32> to vector<128x256xf32>
    %dot_general3A = arith.constant dense<0.000000e+00> : vector<2048x256xf32>
    %dot_general3A_5 = tpu.matmul %get3A_4, %slice3A, %dot_general3A {dimension_numbers = #tpu.dot_dimension_numbers<[1], [0], [0], [1], [0, 0, 1, 1], [], []>, transpose_lhs_hint = false} : vector<2048x128xf32>, vector<128x256xf32>, vector<2048x256xf32> -> vector<2048x256xf32>
    %get3A_6 = arith.constant 0 : index
    %get3A_7 = arith.constant 0 : index
    %get3A_8 = vector.load %arg2[%get3A_6, %get3A_7] : memref<2048x128xf32, #tpu.memory_space<vmem>>, vector<2048x128xf32>
    %slice3A_9 = vector.extract_strided_slice %get3A_1 {offsets = [128, 0], sizes = [128, 256], strides = [1, 1]} : vector<417x256xf32> to vector<128x256xf32>
    %dot_general3A_10 = arith.constant dense<0.000000e+00> : vector<2048x256xf32>
    %dot_general3A_11 = tpu.matmul %get3A_8, %slice3A_9, %dot_general3A_10 {dimension_numbers = #tpu.dot_dimension_numbers<[1], [0], [0], [1], [0, 0, 1, 1], [], []>, transpose_lhs_hint = false} : vector<2048x128xf32>, vector<128x256xf32>, vector<2048x256xf32> -> vector<2048x256xf32>
    %add3A = arith.addf %dot_general3A_5, %dot_general3A_11 : vector<2048x256xf32>
    %iota3A = tpu.iota {dimensions = array<i32: 0>} : vector<100x2048xi32>
    %get3A_12 = arith.constant 0 : index
    %get3A_13 = arith.constant 0 : index
    %get3A_14 = arith.constant 0 : index
    %get3A_15 = vector.load %arg3[%get3A_12, %get3A_13, %get3A_14] : memref<1x1x2048xi32, #tpu.memory_space<vmem>>, vector<1x1x2048xi32>
    %get3A_16 = vector.shape_cast %get3A_15 : vector<1x1x2048xi32> to vector<1x2048xi32>
    %eq3A = vector.broadcast %get3A_16 : vector<1x2048xi32> to vector<100x2048xi32>
    %eq3A_17 = arith.cmpi eq, %iota3A, %eq3A : vector<100x2048xi32>
    %convert_element_type3A = arith.extui %eq3A_17 : vector<100x2048xi1> to vector<100x2048xi32>
    %convert_element_type3A_18 = arith.sitofp %convert_element_type3A : vector<100x2048xi32> to vector<100x2048xf32>
    %get3A_19 = arith.constant 0 : index
    %get3A_20 = arith.constant 0 : index
    %get3A_21 = vector.load %arg7[%get3A_19, %get3A_20] : memref<100x64xf32, #tpu.memory_space<vmem>>, vector<100x64xf32>
    %dot_general3A_22 = arith.constant dense<0.000000e+00> : vector<2048x64xf32>
    %dot_general3A_23 = tpu.matmul %convert_element_type3A_18, %get3A_21, %dot_general3A_22 {dimension_numbers = #tpu.dot_dimension_numbers<[0], [0], [1], [1], [0, 1, 1, 1], [], []>, transpose_lhs_hint = false} : vector<100x2048xf32>, vector<100x64xf32>, vector<2048x64xf32> -> vector<2048x64xf32>
    %slice3A_24 = vector.extract_strided_slice %get3A_1 {offsets = [256, 0], sizes = [64, 256], strides = [1, 1]} : vector<417x256xf32> to vector<64x256xf32>
    %dot_general3A_25 = arith.constant dense<0.000000e+00> : vector<2048x256xf32>
    %dot_general3A_26 = tpu.matmul %dot_general3A_23, %slice3A_24, %dot_general3A_25 {dimension_numbers = #tpu.dot_dimension_numbers<[1], [0], [0], [1], [0, 0, 1, 1], [], []>, transpose_lhs_hint = false} : vector<2048x64xf32>, vector<64x256xf32>, vector<2048x256xf32> -> vector<2048x256xf32>
    %add3A_27 = arith.addf %add3A, %dot_general3A_26 : vector<2048x256xf32>
    %iota3A_28 = tpu.iota {dimensions = array<i32: 0>} : vector<3x2048xi32>
    %get3A_29 = arith.constant 0 : index
    %get3A_30 = arith.constant 0 : index
    %get3A_31 = arith.constant 0 : index
    %get3A_32 = vector.load %arg4[%get3A_29, %get3A_30, %get3A_31] : memref<1x1x2048xi32, #tpu.memory_space<vmem>>, vector<1x1x2048xi32>
    %get3A_33 = vector.shape_cast %get3A_32 : vector<1x1x2048xi32> to vector<1x2048xi32>
    %eq3A_34 = vector.broadcast %get3A_33 : vector<1x2048xi32> to vector<3x2048xi32>
    %eq3A_35 = arith.cmpi eq, %iota3A_28, %eq3A_34 : vector<3x2048xi32>
    %convert_element_type3A_36 = arith.extui %eq3A_35 : vector<3x2048xi1> to vector<3x2048xi32>
    %convert_element_type3A_37 = arith.sitofp %convert_element_type3A_36 : vector<3x2048xi32> to vector<3x2048xf32>
    %get3A_38 = arith.constant 0 : index
    %get3A_39 = arith.constant 0 : index
    %get3A_40 = vector.load %arg8[%get3A_38, %get3A_39] : memref<3x32xf32, #tpu.memory_space<vmem>>, vector<3x32xf32>
    %dot_general3A_41 = arith.constant dense<0.000000e+00> : vector<2048x32xf32>
    %dot_general3A_42 = tpu.matmul %convert_element_type3A_37, %get3A_40, %dot_general3A_41 {dimension_numbers = #tpu.dot_dimension_numbers<[0], [0], [1], [1], [0, 1, 1, 1], [], []>, transpose_lhs_hint = false} : vector<3x2048xf32>, vector<3x32xf32>, vector<2048x32xf32> -> vector<2048x32xf32>
    %slice3A_43 = vector.extract_strided_slice %get3A_1 {offsets = [320, 0], sizes = [32, 256], strides = [1, 1]} : vector<417x256xf32> to vector<32x256xf32>
    %dot_general3A_44 = arith.constant dense<0.000000e+00> : vector<2048x256xf32>
    %dot_general3A_45 = tpu.matmul %dot_general3A_42, %slice3A_43, %dot_general3A_44 {dimension_numbers = #tpu.dot_dimension_numbers<[1], [0], [0], [1], [0, 0, 1, 1], [], []>, transpose_lhs_hint = false} : vector<2048x32xf32>, vector<32x256xf32>, vector<2048x256xf32> -> vector<2048x256xf32>
    %add3A_46 = arith.addf %add3A_27, %dot_general3A_45 : vector<2048x256xf32>
    %iota3A_47 = tpu.iota {dimensions = array<i32: 0>} : vector<1000x2048xi32>
    %get3A_48 = arith.constant 0 : index
    %get3A_49 = arith.constant 0 : index
    %get3A_50 = arith.constant 0 : index
    %get3A_51 = vector.load %arg5[%get3A_48, %get3A_49, %get3A_50] : memref<1x1x2048xi32, #tpu.memory_space<vmem>>, vector<1x1x2048xi32>
    %get3A_52 = vector.shape_cast %get3A_51 : vector<1x1x2048xi32> to vector<1x2048xi32>
    %eq3A_53 = vector.broadcast %get3A_52 : vector<1x2048xi32> to vector<1000x2048xi32>
    %eq3A_54 = arith.cmpi eq, %iota3A_47, %eq3A_53 : vector<1000x2048xi32>
    %convert_element_type3A_55 = arith.extui %eq3A_54 : vector<1000x2048xi1> to vector<1000x2048xi32>
    %convert_element_type3A_56 = arith.sitofp %convert_element_type3A_55 : vector<1000x2048xi32> to vector<1000x2048xf32>
    %get3A_57 = arith.constant 0 : index
    %get3A_58 = arith.constant 0 : index
    %get3A_59 = vector.load %arg9[%get3A_57, %get3A_58] : memref<1000x64xf32, #tpu.memory_space<vmem>>, vector<1000x64xf32>
    %dot_general3A_60 = arith.constant dense<0.000000e+00> : vector<2048x64xf32>
    %dot_general3A_61 = tpu.matmul %convert_element_type3A_56, %get3A_59, %dot_general3A_60 {dimension_numbers = #tpu.dot_dimension_numbers<[0], [0], [1], [1], [0, 1, 1, 1], [], []>, transpose_lhs_hint = false} : vector<1000x2048xf32>, vector<1000x64xf32>, vector<2048x64xf32> -> vector<2048x64xf32>
    %slice3A_62 = vector.extract_strided_slice %get3A_1 {offsets = [352, 0], sizes = [64, 256], strides = [1, 1]} : vector<417x256xf32> to vector<64x256xf32>
    %dot_general3A_63 = arith.constant dense<0.000000e+00> : vector<2048x256xf32>
    %dot_general3A_64 = tpu.matmul %dot_general3A_61, %slice3A_62, %dot_general3A_63 {dimension_numbers = #tpu.dot_dimension_numbers<[1], [0], [0], [1], [0, 0, 1, 1], [], []>, transpose_lhs_hint = false} : vector<2048x64xf32>, vector<64x256xf32>, vector<2048x256xf32> -> vector<2048x256xf32>
    %add3A_65 = arith.addf %add3A_46, %dot_general3A_64 : vector<2048x256xf32>
    %get3A_66 = arith.constant 0 : index
    %get3A_67 = arith.constant 0 : index
    %get3A_68 = arith.constant 0 : index
    %get3A_69 = vector.load %arg6[%get3A_66, %get3A_67, %get3A_68] : memref<1x1x2048xf32, #tpu.memory_space<vmem>>, vector<1x1x2048xf32>
    %get3A_70 = vector.shape_cast %get3A_69 : vector<1x1x2048xf32> to vector<1x2048xf32>
    %mul3A = arith.constant 1.000000e-03 : f32
    %mul3A_71 = vector.broadcast %mul3A : f32 to vector<1x2048xf32>
    %mul3A_72 = arith.mulf %get3A_70, %mul3A_71 : vector<1x2048xf32>
    %slice3A_73 = vector.extract_strided_slice %get3A_1 {offsets = [416, 0], sizes = [1, 256], strides = [1, 1]} : vector<417x256xf32> to vector<1x256xf32>
    %dot_general3A_74 = arith.constant dense<0.000000e+00> : vector<2048x256xf32>
    %dot_general3A_75 = tpu.matmul %mul3A_72, %slice3A_73, %dot_general3A_74 {dimension_numbers = #tpu.dot_dimension_numbers<[0], [0], [1], [1], [0, 1, 1, 1], [], []>, transpose_lhs_hint = false} : vector<1x2048xf32>, vector<1x256xf32>, vector<2048x256xf32> -> vector<2048x256xf32>
    %add3A_76 = arith.addf %add3A_65, %dot_general3A_75 : vector<2048x256xf32>
    %get3A_77 = arith.constant 0 : index
    %get3A_78 = arith.constant 0 : index
    %get3A_79 = vector.load %arg11[%get3A_77, %get3A_78] : memref<1x256xf32, #tpu.memory_space<vmem>>, vector<1x256xf32>
    %add3A_80 = vector.broadcast %get3A_79 : vector<1x256xf32> to vector<2048x256xf32>
    %add3A_81 = arith.addf %add3A_76, %add3A_80 : vector<2048x256xf32>
    %max3A = arith.constant 0.000000e+00 : f32
    %max3A_82 = vector.broadcast %max3A : f32 to vector<2048x256xf32>
    %max3A_83 = arith.maximumf %add3A_81, %max3A_82 : vector<2048x256xf32>
    %get3A_84 = arith.constant 0 : index
    %get3A_85 = arith.constant 0 : index
    %get3A_86 = vector.load %arg12[%get3A_84, %get3A_85] : memref<256x128xf32, #tpu.memory_space<vmem>>, vector<256x128xf32>
    %dot_general3A_87 = arith.constant dense<0.000000e+00> : vector<2048x128xf32>
    %dot_general3A_88 = tpu.matmul %max3A_83, %get3A_86, %dot_general3A_87 {dimension_numbers = #tpu.dot_dimension_numbers<[1], [0], [0], [1], [0, 0, 1, 1], [], []>, transpose_lhs_hint = false} : vector<2048x256xf32>, vector<256x128xf32>, vector<2048x128xf32> -> vector<2048x128xf32>
    %get3A_89 = arith.constant 0 : index
    %get3A_90 = arith.constant 0 : index
    %get3A_91 = vector.load %arg13[%get3A_89, %get3A_90] : memref<1x128xf32, #tpu.memory_space<vmem>>, vector<1x128xf32>
    %add3A_92 = vector.broadcast %get3A_91 : vector<1x128xf32> to vector<2048x128xf32>
    %add3A_93 = arith.addf %dot_general3A_88, %add3A_92 : vector<2048x128xf32>
    %max3A_94 = arith.constant 0.000000e+00 : f32
    %max3A_95 = vector.broadcast %max3A_94 : f32 to vector<2048x128xf32>
    %max3A_96 = arith.maximumf %add3A_93, %max3A_95 : vector<2048x128xf32>
    %get3A_97 = arith.constant 0 : index
    %get3A_98 = arith.constant 0 : index
    %get3A_99 = vector.load %arg14[%get3A_97, %get3A_98] : memref<128x64xf32, #tpu.memory_space<vmem>>, vector<128x64xf32>
    %dot_general3A_100 = arith.constant dense<0.000000e+00> : vector<2048x64xf32>
    %dot_general3A_101 = tpu.matmul %max3A_96, %get3A_99, %dot_general3A_100 {dimension_numbers = #tpu.dot_dimension_numbers<[1], [0], [0], [1], [0, 0, 1, 1], [], []>, transpose_lhs_hint = false} : vector<2048x128xf32>, vector<128x64xf32>, vector<2048x64xf32> -> vector<2048x64xf32>
    %get3A_102 = arith.constant 0 : index
    %get3A_103 = arith.constant 0 : index
    %get3A_104 = vector.load %arg15[%get3A_102, %get3A_103] : memref<1x64xf32, #tpu.memory_space<vmem>>, vector<1x64xf32>
    %add3A_105 = vector.broadcast %get3A_104 : vector<1x64xf32> to vector<2048x64xf32>
    %add3A_106 = arith.addf %dot_general3A_101, %add3A_105 : vector<2048x64xf32>
    %max3A_107 = arith.constant 0.000000e+00 : f32
    %max3A_108 = vector.broadcast %max3A_107 : f32 to vector<2048x64xf32>
    %max3A_109 = arith.maximumf %add3A_106, %max3A_108 : vector<2048x64xf32>
    %get3A_110 = arith.constant 0 : index
    %get3A_111 = arith.constant 0 : index
    %get3A_112 = vector.load %arg16[%get3A_110, %get3A_111] : memref<64x1xf32, #tpu.memory_space<vmem>>, vector<64x1xf32>
    %dot_general3A_113 = arith.constant dense<0.000000e+00> : vector<1x2048xf32>
    %dot_general3A_114 = tpu.matmul %get3A_112, %max3A_109, %dot_general3A_113 {dimension_numbers = #tpu.dot_dimension_numbers<[0], [1], [1], [0], [0, 1, 1, 0], [], []>, transpose_lhs_hint = false} : vector<64x1xf32>, vector<2048x64xf32>, vector<1x2048xf32> -> vector<1x2048xf32>
    %get3A_115 = arith.constant 0 : index
    %get3A_116 = arith.constant 0 : index
    %get3A_117 = vector.load %arg17[%get3A_115, %get3A_116] : memref<1x1xf32, #tpu.memory_space<vmem>>, vector<1x1xf32>
    %add3A_118 = vector.broadcast %get3A_117 : vector<1x1xf32> to vector<1x2048xf32>
    %add3A_119 = arith.addf %dot_general3A_114, %add3A_118 : vector<1x2048xf32>
    %reshape3A = vector.shape_cast %add3A_119 : vector<1x2048xf32> to vector<2048xf32>
    %swap3A = arith.constant 0 : index
    %swap3A_120 = vector.load %arg18[%swap3A] : memref<2048xf32, #tpu.memory_space<vmem>>, vector<2048xf32>
    tpu.vector_store %arg18[%swap3A], %reshape3A {strides = array<i32>} : memref<2048xf32, #tpu.memory_space<vmem>>, vector<2048xf32>,
    return
  }
  func.func @transform_0(%arg0: i32) -> (i32, i32) {
    %c0_i32 = arith.constant 0 : i32
    %c0_i32_0 = arith.constant 0 : i32
    return %arg0, %c0_i32 : i32, i32
  }
  func.func @transform_1(%arg0: i32) -> (i32, i32) {
    %c0_i32 = arith.constant 0 : i32
    %c0_i32_0 = arith.constant 0 : i32
    return %arg0, %c0_i32 : i32, i32
  }
  func.func @transform_2(%arg0: i32) -> (i32, i32, i32) {
    %c0_i32 = arith.constant 0 : i32
    %c0_i32_0 = arith.constant 0 : i32
    %c0_i32_1 = arith.constant 0 : i32
    return %arg0, %c0_i32, %c0_i32_0 : i32, i32, i32
  }
  func.func @transform_3(%arg0: i32) -> (i32, i32, i32) {
    %c0_i32 = arith.constant 0 : i32
    %c0_i32_0 = arith.constant 0 : i32
    %c0_i32_1 = arith.constant 0 : i32
    return %arg0, %c0_i32, %c0_i32_0 : i32, i32, i32
  }
  func.func @transform_4(%arg0: i32) -> (i32, i32, i32) {
    %c0_i32 = arith.constant 0 : i32
    %c0_i32_0 = arith.constant 0 : i32
    %c0_i32_1 = arith.constant 0 : i32
    return %arg0, %c0_i32, %c0_i32_0 : i32, i32, i32
  }
  func.func @transform_5(%arg0: i32) -> (i32, i32, i32) {
    %c0_i32 = arith.constant 0 : i32
    %c0_i32_0 = arith.constant 0 : i32
    %c0_i32_1 = arith.constant 0 : i32
    return %arg0, %c0_i32, %c0_i32_0 : i32, i32, i32
  }
  func.func @transform_6(%arg0: i32) -> (i32, i32) {
    %c0_i32 = arith.constant 0 : i32
    %c0_i32_0 = arith.constant 0 : i32
    %c0_i32_1 = arith.constant 0 : i32
    return %c0_i32, %c0_i32_0 : i32, i32
  }
  func.func @transform_7(%arg0: i32) -> (i32, i32) {
    %c0_i32 = arith.constant 0 : i32
    %c0_i32_0 = arith.constant 0 : i32
    %c0_i32_1 = arith.constant 0 : i32
    return %c0_i32, %c0_i32_0 : i32, i32
  }
  func.func @transform_8(%arg0: i32) -> (i32, i32) {
    %c0_i32 = arith.constant 0 : i32
    %c0_i32_0 = arith.constant 0 : i32
    %c0_i32_1 = arith.constant 0 : i32
    return %c0_i32, %c0_i32_0 : i32, i32
  }
  func.func @transform_9(%arg0: i32) -> (i32, i32) {
    %c0_i32 = arith.constant 0 : i32
    %c0_i32_0 = arith.constant 0 : i32
    %c0_i32_1 = arith.constant 0 : i32
    return %c0_i32, %c0_i32_0 : i32, i32
  }
  func.func @transform_10(%arg0: i32) -> (i32, i32) {
    %c0_i32 = arith.constant 0 : i32
    %c0_i32_0 = arith.constant 0 : i32
    %c0_i32_1 = arith.constant 0 : i32
    return %c0_i32, %c0_i32_0 : i32, i32
  }
  func.func @transform_11(%arg0: i32) -> (i32, i32) {
    %c0_i32 = arith.constant 0 : i32
    %c0_i32_0 = arith.constant 0 : i32
    %c0_i32_1 = arith.constant 0 : i32
    return %c0_i32, %c0_i32_0 : i32, i32
  }
  func.func @transform_12(%arg0: i32) -> (i32, i32) {
    %c0_i32 = arith.constant 0 : i32
    %c0_i32_0 = arith.constant 0 : i32
    %c0_i32_1 = arith.constant 0 : i32
    return %c0_i32, %c0_i32_0 : i32, i32
  }
  func.func @transform_13(%arg0: i32) -> (i32, i32) {
    %c0_i32 = arith.constant 0 : i32
    %c0_i32_0 = arith.constant 0 : i32
    %c0_i32_1 = arith.constant 0 : i32
    return %c0_i32, %c0_i32_0 : i32, i32
  }
  func.func @transform_14(%arg0: i32) -> (i32, i32) {
    %c0_i32 = arith.constant 0 : i32
    %c0_i32_0 = arith.constant 0 : i32
    %c0_i32_1 = arith.constant 0 : i32
    return %c0_i32, %c0_i32_0 : i32, i32
  }
  func.func @transform_15(%arg0: i32) -> (i32, i32) {
    %c0_i32 = arith.constant 0 : i32
    %c0_i32_0 = arith.constant 0 : i32
    %c0_i32_1 = arith.constant 0 : i32
    return %c0_i32, %c0_i32_0 : i32, i32
  }
  func.func @transform_16(%arg0: i32) -> (i32, i32) {
    %c0_i32 = arith.constant 0 : i32
    %c0_i32_0 = arith.constant 0 : i32
    %c0_i32_1 = arith.constant 0 : i32
    return %c0_i32, %c0_i32_0 : i32, i32
  }
  func.func @transform_17(%arg0: i32) -> i32 {
    %c0_i32 = arith.constant 0 : i32
    return %arg0 : i32
  }
}

</mosaic_0001>

<sc_bundles>
// kernel: kernel.4.cloned.1.call-start
scs
__scs_entry_jumppad:
0x0: {  	(pc) =	sbr.rel $0x88, $3  }
0x1: {  	(tag) =	ssettag $0x0;
	lr =	simm.s32 $0x1  }
0x2: {  	[smem:$0x3F8E] =	sst lr;
	_ =	strace $0xD0000000  }
0x3: {  	_ = 	snop  }
0x4: {  	_ = 	snop  }
0x5: {  	_ = 	snop  }
0x6: {  	_ = 	snop  }
0x7: {  	_ = 	snop  }
__scs_overlays_trampoline_lowered:
0x8: {  	[smem:$0x3F9D] =	sst s0  }
0x9: {  	[smem:$0x3F9E] =	sst s1  }
0xa: {  	[smem:$0x3F9F] =	sst s2  }
0xb: {  	[smem:$0x3FA0] =	sst s3  }
0xc: {  	[smem:$0x3FA1] =	sst s4  }
0xd: {  	[smem:$0x3FA2] =	sst s5  }
0xe: {  	[smem:$0x3FA3] =	sst s6  }
0xf: {  	[smem:$0x3FA4] =	sst s7  }
0x10: {  	[smem:$0x3FA5] =	sst s8  }
0x11: {  	[smem:$0x3FA6] =	sst s9;
	s0 =	simm.s32 @!p0 $0x0  }
0x12: {  	s1 =	sld [smem:$0x3F8C];
	s0 =	simm.s32 @p0 $0x1  }
0x13: {  	[smem:$0x3FA7] =	sst s0;
	s0 =	simm.s32 @!p1 $0x0  }
0x14: {  	s2 =	sld [smem:$0x3F8B];
	s0 =	simm.s32 @p1 $0x1  }
0x15: {  	[smem:$0x3FA8] =	sst s0;
	s0 =	simm.s32 @!p2 $0x0  }
0x16: {  	s3 =	sld [smem:$0x3FDB];
	s0 =	simm.s32 @p2 $0x1  }
0x17: {  	s4 =	simm.s32 $0x1BF5;
	[smem:$0x3FAA] =	sst s0  }
0x18: {  	s0 =	sld [smem:$0x3F8D];
	_ =	swait.ge [sflag:s4], $0x0  }
0x19: {  	s7 =	sld [smem:$0x3F8E]  }
0x1a: {  	s8 =	sadd.s32 $0xFFFFE003, lr  }
0x1b: {  	s9 =	sadd.s32 $0xFFFFFEF7, lr;
	s5 =	simm.s32 $0xFFFFFFFF;
	p2 =	slt.u32 s8, $0xFFFFF086  }
0x1c: {  	p1 =	slt.u32 s9, $0xF7A;
	s5 =	simm.s32 @!p2 $0x0  }
0x1d: {  	s5 =	simm.s32 @p1 $0x1;
	p0 =	seq.s32 s7, s2  }
0x1e: {  	s7 =	smul.u32 @!p0 $0xF7A, s2;
	p2 =	seq.s32 @!p0 s5, $0x0  }
0x1f: {  	s9 =	smul.u32 $0xF7A, s1;
	s8 =	simm.s32 @!p0 $0x1BF5;
	p2 =	por !p2, p0  }
0x20: {  	[sflag:s8] =	ssyncset.s32 @!p0 $0xFFFFF086;
	s6 =	sadd.s32 @!p0 s3, s7;
	s7 =	simm.s32 @!p0 $0x108  }
0x21: {  	s3 =	sadd.s32 s3, s9;
	s6 =	sadd.s32 @!p0 $0x88, s6;
	s7 =	simm.s32 @p2 $0x1082  }
0x22: {  	[simem:s7], [sflag:s8] =	dma.local @!p0 [hbm:s6], $0xF7A  }
0x23: {  	s9 =	sor.u32 $0xD0000000, s2;
	s6 =	simm.s32 $0x108;
	_ =	swait.ge @!p0 [sflag:s8], $0x0  }
0x24: {  	s3 =	sadd.s32 $0x88, s3;
	s6 =	simm.s32 @!p1 $0x1082;
	[sflag:s4] =	ssyncset.s32 $0xFFFFF086  }
0x25: {  	[simem:s6], [sflag:s4] =	dma.local [hbm:s3], $0xF7A  }
0x26: {  	[smem:$0x3F8E] =	sst s1;
	(tag) =	ssettag s2;
	_ =	strace s9  }
0x27: {  	s1 =	sld [smem:$0x3F9E]  }
0x28: {  	s2 =	sld [smem:$0x3F9F]  }
0x29: {  	s4 =	sld [smem:$0x3FA1]  }
0x2a: {  	p0 =	seq.s32 s5, $0x0;
	s5 =	sld [smem:$0x3FA2]  }
0x2b: {  	s6 =	sld [smem:$0x3FA3]  }
0x2c: {  	s7 =	sld [smem:$0x3FA4]  }
0x2d: {  	s3 =	simm.s32 $0x108;
	s8 =	sld [smem:$0x3FA5]  }
0x2e: {  	s3 =	simm.s32 @!p0 $0x1082;
	s9 =	sld [smem:$0x3FA6]  }
0x2f: {  	lr =	sadd.s32 s0, s3;
	s0 =	sld [smem:$0x3F9D]  }
0x30: {  	s3 =	sld [smem:$0x3FA0]  }
0x31: {  	[smem:$0x3FA9] =	sst s10  }
0x32: {  	s10 =	sld [smem:$0x3FA7];
	_ =	sdelay $0x3  }
0x33: {  	p0 =	seq.s32 s10, $0x1;
	s10 =	sld [smem:$0x3FA9];
	_ =	sdelay $0x3  }
0x34: {  	[smem:$0x3FA9] =	sst s10  }
0x35: {  	s10 =	sld [smem:$0x3FA8];
	_ =	sdelay $0x3  }
0x36: {  	p1 =	seq.s32 s10, $0x1;
	s10 =	sld [smem:$0x3FA9];
	_ =	sdelay $0x3  }
0x37: {  	[smem:$0x3FA9] =	sst s10  }
0x38: {  	s10 =	sld [smem:$0x3FAA]  }
0x39: {  	_ = 	snop;
	(pc) =	sbr.ind lr, $3  }
0x3a: {  	_ = 	snop  }
0x3b: {  	_ = 	snop  }
0x3c: {  	p2 =	seq.s32 s10, $0x1;
	s10 =	sld [smem:$0x3FA9]  }
0x3d: {  	_ =	shalt  }
0x3e: {  	_ =	shalt  }
0x3f: {  	_ =	shalt  }
0x40: {  	_ =	shalt  }
0x41: {  	_ =	shalt  }
0x42: {  	_ =	shalt  }
0x43: {  	_ =	shalt  }
0x44: {  	_ =	shalt  }
0x45: {  	_ =	shalt  }
0x46: {  	_ =	shalt  }
0x47: {  	_ =	shalt  }
0x48: {  	_ =	shalt  }
0x49: {  	_ =	shalt  }
0x4a: {  	_ =	shalt  }
0x4b: {  	_ =	shalt  }
0x4c: {  	_ =	shalt  }
0x4d: {  	_ =	shalt  }
0x4e: {  	_ =	shalt  }
0x4f: {  	_ =	shalt  }
0x50: {  	_ =	shalt  }
0x51: {  	_ =	shalt  }
0x52: {  	_ =	shalt  }
0x53: {  	_ =	shalt  }
0x54: {  	_ =	shalt  }
0x55: {  	_ =	shalt  }
0x56: {  	_ =	shalt  }
0x57: {  	_ =	shalt  }
0x58: {  	_ =	shalt  }
0x59: {  	_ =	shalt  }
0x5a: {  	_ =	shalt  }
0x5b: {  	_ =	shalt  }
0x5c: {  	_ =	shalt  }
0x5d: {  	_ =	shalt  }
0x5e: {  	_ =	shalt  }
0x5f: {  	_ =	shalt  }
0x60: {  	_ =	shalt  }
0x61: {  	_ =	shalt  }
0x62: {  	_ =	shalt  }
0x63: {  	_ =	shalt  }
0x64: {  	_ =	shalt  }
0x65: {  	_ =	shalt  }
0x66: {  	_ =	shalt  }
0x67: {  	_ =	shalt  }
0x68: {  	_ =	shalt  }
0x69: {  	_ =	shalt  }
0x6a: {  	_ =	shalt  }
0x6b: {  	_ =	shalt  }
0x6c: {  	_ =	shalt  }
0x6d: {  	_ =	shalt  }
0x6e: {  	_ =	shalt  }
0x6f: {  	_ =	shalt  }
0x70: {  	_ =	shalt  }
0x71: {  	_ =	shalt  }
0x72: {  	_ =	shalt  }
0x73: {  	_ =	shalt  }
0x74: {  	_ =	shalt  }
0x75: {  	_ =	shalt  }
0x76: {  	_ =	shalt  }
0x77: {  	_ =	shalt  }
0x78: {  	_ =	shalt  }
0x79: {  	_ =	shalt  }
0x7a: {  	_ =	shalt  }
0x7b: {  	_ =	shalt  }
0x7c: {  	_ =	shalt  }
0x7d: {  	_ =	shalt  }
0x7e: {  	_ =	shalt  }
0x7f: {  	_ =	shalt  }
0x80: {  	_ =	shalt  }
0x81: {  	_ =	shalt  }
0x82: {  	_ =	shalt  }
0x83: {  	_ =	shalt  }
0x84: {  	_ =	shalt  }
0x85: {  	_ =	shalt  }
0x86: {  	_ =	shalt  }
0x87: {  	_ =	shalt  }
.Lfunc_end0:
.L_simem_size_0:
called_computation_lowered:
.L_overlay_start_0:
0x88: {  	s2 =	sld [smem:$0x3FD9]  }
0x89: {  	s3 =	sld [smem:$0x3FFE];
	_ =	sdelay $0x1  }
0x8a: {  	s1 =	srdreg.scid  }
0x8b: {  	s0 =	sand.u32 $0x1, s1  }
0x8c: {  	s17 =	sshll.u32 s0, $0xA;
	s2 =	sadd.s32 s3, s2  }
0x8d: {  	s2 =	sadd.s32 s2, s17  }
0x8e: {  	[smem:$0x3FB5] =	sst s2  }
0x8f: {  	_ = 	snop  }
0x90: {  	s2 =	sld [smem:$0x3FC9]  }
0x91: {  	s18 =	sld [smem:$0x3FC6]  }
0x92: {  	s4 =	sld [smem:$0x3FC3]  }
0x93: {  	s5 =	sld [smem:$0x3FC2];
	(tm) =	ssettm $0x1  }
0x94: {  	s6 =	sld [smem:$0x3FFB];
	_ =	sdelay $0x3  }
0x95: {  	_ =	strace s6  }
0x96: {  	s6 =	sld [smem:$0x3FFC];
	_ =	sdelay $0x3  }
0x97: {  	_ =	strace s6  }
0x98: {  	s6 =	sld [smem:$0x3FFD];
	_ =	sdelay $0x3  }
0x99: {  	_ =	strace s6  }
0x9a: {  	_ =	strace $0x8FFFFFFF  }
0x9b: {  	s19 =	sld [smem:$0x3FDB];
	_ =	sdelay $0x1  }
0x9c: {  	s7 =	simm.s32 $_scs_section_size  }
0x9d: {  	s8 =	simm.s32 $_size__tile_overlayer_lowered;
	s9 =	simm.s32 $_tile_overlayer_lowered  }
0x9e: {  	s22 =	simm.s32 $0x1BFF;
	s21 =	sshll.u32 s9, $0x1;
	s6 =	sadd.s32 s7, s19  }
0x9f: {  	s10 =	simm.s32 $0x0;
	s20 =	sshll.u32 s8, $0x1;
	s8 =	sadd.s32 s21, s6  }
0xa0: {  	[timem:s10], [sflag:s22] =	dma.local [hbm:s8], s20  }
0xa1: {  	_ =	swait.ge [sflag:s22], s20  }
0xa2: {  	s7 =	ssub.s32 $0x0, s20;
	[sflag:s22] =	ssyncset.done $0x0  }
0xa3: {  	[sflag:s22] =	ssyncadd.s32 s7;
	_ =	sdelay $0x1  }
0xa4: {  	s23 =	simm.s32 $0x1B8B  }
0xa5: {  	_ =	swait.ge [sflag:s23], $0x1  }
0xa6: {  	[sflag:s23] =	ssyncset.done $0x0  }
0xa7: {  	s25 =	simm.s32 $0x1B8E;
	s24 =	sld [smem:$0x3FFE];
	[sflag:s23] =	ssyncadd.s32 $0xFFFFFFFF  }
0xa8: {  	s26 =	simm.s32 $execute0_lowered;
	[smem:$0x3FD2] =	sst s25  }
0xa9: {  	s8 =	sshll.u32 s26, $0x1;
	_ =	strace $0x80000046;
	[dreg:$0x1] =	wrdreg $0xFFFFFFFF  }
0xaa: {  	s28 =	simm.s32 $_size_execute0_lowered;
	s6 =	sadd.s32 s6, s8;
	[dreg:$0x0] =	wrdreg $0x0  }
0xab: {  	s8 =	sshll.u32 s28, $0x1;
	[dreg:$0x2] =	wrdreg s6  }
0xac: {  	[dreg:$0x3] =	wrdreg s8  }
0xad: {  	[dreg:$0x4] =	wrdreg $0xC0  }
0xae: {  	_ =	task [dreg:s10], $0x5FFFF  }
0xaf: {  	[dreg:$0x1] =	wrdreg $0xFFFFFFFF  }
0xb0: {  	[dreg:$0x0] =	wrdreg $0x60  }
0xb1: {  	[dreg:$0x2] =	wrdreg s2  }
0xb2: {  	[dreg:$0x3] =	wrdreg s18  }
0xb3: {  	[dreg:$0x4] =	wrdreg s4  }
0xb4: {  	[dreg:$0x5] =	wrdreg s5  }
0xb5: {  	[dreg:$0x6] =	wrdreg s24  }
0xb6: {  	[dreg:$0x7] =	wrdreg $0x9  }
0xb7: {  	_ =	task.clear_ibuf [dreg:s10], $0x8FFFF;
	_ =	strace $0x90000046  }
0xb8: {  	s29 =	simm.s32 $0x9;
	_ =	strace $0x80000048  }
0xb9: {  	_ =	swait.ge [sflag:s29], $0x1  }
0xba: {  	[sflag:s29] =	ssyncadd.s32 $0xFFFFFFFF  }
0xbb: {  	_ =	strace $0x90000048  }
0xbc: {  	_ =	sfence  }
0xbd: {  	s30 =	sld [smem:$0x0];
	_ =	sdelay $0x2  }
0xbe: {  	s31 =	sshll.u32 s1, $0xD;
	s1 =	sshrl.u32 s1, $0x2  }
0xbf: {  	s3 =	sand.u32 $0x4000, s31;
	s1 =	sadd.s32 s1, s30  }
0xc0: {  	s0 =	sor.u32 s3, s0;
	s1 =	sshll.u32 s1, $0x11  }
0xc1: {  	s0 =	sor.u32 s1, s0  }
0xc2: {  	s0 =	sadd.s32 $0x8F2B, s0  }
0xc3: {  	[sflag:s0] =	ssyncadd.remote.s32 $0x1  }
0xc4: {  	_ =	sfence.sel $0xFFFF  }
0xc5: {  	[dreg:$0x0] =	wrdreg $0xFFFFFFFF;
	(pc) =	sbr.abs _section_cstart, $3  }
0xc6: {  	[dreg:$0x1] =	wrdreg $0xFFFFFFFF  }
0xc7: {  	_ =	task.clear_ibuf [dreg:s10], $0x2FFFF;
	_ =	strace $0x9FFFFFFF  }
0xc8: {  	(tm) =	ssettm $0x7FFFFFFF  }
0xc9: {  	_ =	shalt  }
tec
execute0_lowered:
.L_overlay_start_1:
0x0: {  	(tag) =	ssettag $0x1  }
0x1: {  	s5 =	rddreg [dreg:$0x0]  }
0x2: {  	s6 =	rddreg [dreg:$0x1]  }
0x3: {  	s2 =	rddreg [dreg:$0x2]  }
0x4: {  	s1 =	srdreg.scid;
	s3 =	rddreg [dreg:$0x3]  }
0x5: {  	s0 =	stileid.u32;
	s28 =	rddreg [dreg:$0x4];
	s1 =	sand.u32 $0x1, s1  }
0x6: {  	s4 =	simm.s32 $0x0;
	s7 =	sshll.u32 s0, $0xA;
	s8 =	sshll.u32 s1, $0x9  }
0x7: {  	[smem:$0x7FF] =	sst s4;
	s7 =	sor.u32 s8, s7  }
0x8: {  	[dreg:$0xa] =	wrdreg s1;
	s8 =	sshrl.u32 s7, $0x3  }
0x9: {  	s24 =	sadd.s32 $0x2800, s28;
	_ =	strace $0x80000047;
	s5 =	sadd.s32 s5, s8  }
0xa: {  	s30 =	sshll.u32 s7, $0x4;
	s22 =	sadd.s32 s6, s8;
	[dreg:$0x6] =	wrdreg s5  }
0xb: {  	s23 =	sadd.s32 s24, s30;
	[dreg:$0x7] =	wrdreg s22  }
0xc: {  	s29 =	sor.u32 $0x800, s30;
	[dreg:$0x8] =	wrdreg s23  }
0xd: {  	s26 =	sadd.s32 s24, s29;
	s25 =	rddreg [dreg:$0x6]  }
0xe: {  	s5 =	simm.s32 $0x9;
	[dreg:$0x9] =	wrdreg s26  }
0xf: {  	[tilespmem:s4], [sflag:$0x9] =	stream.linear.gather [hbm4b:s25+s4], $0x200, $0x38;
	[tilespmem:$0x10400] =	vst v63  }
0x10: {  	_ =	swait.ge [sflag:s5], $0x200  }
0x11: {  	[sflag:s5] =	ssyncset.done $0x0  }
0x12: {  	s6 =	simm.s32 $0x200;
	s0 =	rddreg [dreg:$0x7];
	[sflag:s5] =	ssyncadd.s32 $0xFFFFFE00  }
0x13: {  	[tilespmem:s6], [sflag:$0x9] =	stream.linear.gather [hbm4b:s0+s4], $0x200, $0x38;
	[tilespmem:$0x10400] =	vst v63  }
0x14: {  	_ =	swait.ge [sflag:s5], $0x200  }
0x15: {  	[sflag:s5] =	ssyncset.done $0x0  }
0x16: {  	s7 =	simm.s32 $0x80;
	s8 =	simm.s32 $0x400;
	[sflag:s5] =	ssyncadd.s32 $0xFFFFFE00  }
0x17: {  	[tilespmem:s8], [sflag:$0x1] =	stream.indirect.gather [hbm4b:s2+s7], $0x80, s4, s7, $0xb8;
	[tilespmem:$0x10400] =	vst v63  }
0x18: {  	s9 =	simm.s32 $0x4400  }
0x19: {  	[tilespmem:s9], [sflag:$0x2] =	stream.indirect.gather [hbm4b:s2+s7], $0x80, s7, s7, $0xb8;
	[tilespmem:$0x10400] =	vst v63  }
0x1a: {  	s10 =	simm.s32 $0x100;
	s11 =	simm.s32 $0x8400  }
0x1b: {  	[tilespmem:s11], [sflag:$0x3] =	stream.indirect.gather [hbm4b:s2+s7], $0x80, s10, s7, $0xb8;
	[tilespmem:$0x10400] =	vst v63  }
0x1c: {  	s12 =	simm.s32 $0x180;
	s13 =	simm.s32 $0xC400;
	s14 =	simm.s32 $0x1  }
0x1d: {  	[tilespmem:s13], [sflag:$0x4] =	stream.indirect.gather [hbm4b:s2+s7], $0x80, s12, s7, $0xb8;
	[tilespmem:$0x10400] =	vst v63  }
0x1e: {  	_ =	swait.ge [sflag:s14], $0x4000  }
0x1f: {  	[sflag:s14] =	ssyncset.done $0x0  }
0x20: {  	s15 =	simm.s32 $0x5;
	s16 =	rddreg [dreg:$0x8];
	[sflag:s14] =	ssyncadd.s32 $0xFFFFC000  }
0x21: {  	[hbm4b:s16+s4] =	stream.linear.scatter [tilespmem:s8], [sflag:$0x5], $0x4000, $0x38;
	[tilespmem:$0x10400] =	vst v63  }
0x22: {  	_ =	swait.ge [sflag:s15], $0x4000  }
0x23: {  	[sflag:s15] =	ssyncset.done $0x0  }
0x24: {  	s16 =	simm.s32 $0x2;
	[sflag:s15] =	ssyncadd.s32 $0xFFFFC000  }
0x25: {  	[tilespmem:s8], [sflag:$0x1] =	stream.indirect.gather [hbm4b:s3+s7], $0x80, s6, s7, $0xb8;
	[tilespmem:$0x10400] =	vst v63  }
0x26: {  	_ =	swait.ge [sflag:s16], $0x4000  }
0x27: {  	[sflag:s16] =	ssyncset.done $0x0  }
0x28: {  	s17 =	simm.s32 $0x6;
	s18 =	rddreg [dreg:$0x9];
	[sflag:s16] =	ssyncadd.s32 $0xFFFFC000  }
0x29: {  	[hbm4b:s18+s4] =	stream.linear.scatter [tilespmem:s9], [sflag:$0x6], $0x4000, $0x38;
	[tilespmem:$0x10400] =	vst v63  }
0x2a: {  	_ =	swait.ge [sflag:s17], $0x4000  }
0x2b: {  	[sflag:s17] =	ssyncset.done $0x0  }
0x2c: {  	s19 =	simm.s32 $0x3;
	s18 =	simm.s32 $0x280;
	[sflag:s17] =	ssyncadd.s32 $0xFFFFC000  }
0x2d: {  	[tilespmem:s9], [sflag:$0x2] =	stream.indirect.gather [hbm4b:s3+s7], $0x80, s18, s7, $0xb8;
	[tilespmem:$0x10400] =	vst v63  }
0x2e: {  	_ =	swait.ge [sflag:s19], $0x4000  }
0x2f: {  	s31 =	sor.u32 $0x1000, s30;
	[sflag:s19] =	ssyncset.done $0x0  }
0x30: {  	s21 =	simm.s32 $0x7;
	s20 =	sadd.s32 s24, s31;
	[sflag:s19] =	ssyncadd.s32 $0xFFFFC000  }
0x31: {  	[hbm4b:s20+s4] =	stream.linear.scatter [tilespmem:s11], [sflag:$0x7], $0x4000, $0x38;
	[tilespmem:$0x10400] =	vst v63  }
0x32: {  	_ =	swait.ge [sflag:s21], $0x4000  }
0x33: {  	[sflag:s21] =	ssyncset.done $0x0  }
0x34: {  	s22 =	simm.s32 $0x300;
	s23 =	simm.s32 $0x4;
	[sflag:s21] =	ssyncadd.s32 $0xFFFFC000  }
0x35: {  	[tilespmem:s11], [sflag:$0x3] =	stream.indirect.gather [hbm4b:s3+s7], $0x80, s22, s7, $0xb8;
	[tilespmem:$0x10400] =	vst v63  }
0x36: {  	_ =	swait.ge [sflag:s23], $0x4000  }
0x37: {  	s1 =	sor.u32 $0x1800, s30;
	[sflag:s23] =	ssyncset.done $0x0  }
0x38: {  	s24 =	sadd.s32 s24, s1;
	s25 =	simm.s32 $0x8;
	[sflag:s23] =	ssyncadd.s32 $0xFFFFC000  }
0x39: {  	[hbm4b:s24+s4] =	stream.linear.scatter [tilespmem:s13], [sflag:$0x8], $0x4000, $0x38;
	[tilespmem:$0x10400] =	vst v63  }
0x3a: {  	_ =	swait.ge [sflag:s25], $0x4000  }
0x3b: {  	[sflag:s25] =	ssyncset.done $0x0  }
0x3c: {  	s26 =	simm.s32 $0x380;
	[sflag:s25] =	ssyncadd.s32 $0xFFFFC000  }
0x3d: {  	[tilespmem:s13], [sflag:$0x4] =	stream.indirect.gather [hbm4b:s3+s7], $0x80, s26, s7, $0xb8;
	[tilespmem:$0x10400] =	vst v63  }
0x3e: {  	_ =	swait.ge [sflag:s14], $0x4000  }
0x3f: {  	s0 =	sadd.s32 $0x42800, s28;
	[sflag:s14] =	ssyncset.done $0x0  }
0x40: {  	s28 =	sadd.s32 s0, s30;
	[sflag:s14] =	ssyncadd.s32 $0xFFFFC000  }
0x41: {  	[hbm4b:s28+s4] =	stream.linear.scatter [tilespmem:s8], [sflag:$0x5], $0x4000, $0x38;
	[tilespmem:$0x10400] =	vst v63  }
0x42: {  	_ =	swait.ge [sflag:s16], $0x4000  }
0x43: {  	[sflag:s16] =	ssyncset.done $0x0  }
0x44: {  	s29 =	sadd.s32 s0, s29;
	[sflag:s16] =	ssyncadd.s32 $0xFFFFC000  }
0x45: {  	[hbm4b:s29+s4] =	stream.linear.scatter [tilespmem:s9], [sflag:$0x6], $0x4000, $0x38;
	[tilespmem:$0x10400] =	vst v63  }
0x46: {  	_ =	swait.ge [sflag:s19], $0x4000  }
0x47: {  	[sflag:s19] =	ssyncset.done $0x0  }
0x48: {  	s30 =	sadd.s32 s0, s31;
	[sflag:s19] =	ssyncadd.s32 $0xFFFFC000  }
0x49: {  	[hbm4b:s30+s4] =	stream.linear.scatter [tilespmem:s11], [sflag:$0x7], $0x4000, $0x38;
	[tilespmem:$0x10400] =	vst v63  }
0x4a: {  	_ =	swait.ge [sflag:s23], $0x4000  }
0x4b: {  	[sflag:s23] =	ssyncset.done $0x0  }
0x4c: {  	s31 =	sadd.s32 s0, s1;
	[sflag:s23] =	ssyncadd.s32 $0xFFFFC000  }
0x4d: {  	[hbm4b:s31+s4] =	stream.linear.scatter [tilespmem:s13], [sflag:$0x8], $0x4000, $0x38;
	[tilespmem:$0x10400] =	vst v63  }
0x4e: {  	_ =	swait.ge [sflag:s15], $0x4000  }
0x4f: {  	[sflag:s15] =	ssyncset.done $0x0  }
0x50: {  	[sflag:s15] =	ssyncadd.s32 $0xFFFFC000  }
0x51: {  	_ =	swait.ge [sflag:s17], $0x4000  }
0x52: {  	s1 =	rddreg [dreg:$0xa]  }
0x53: {  	s0 =	ssub.s32 $0x2, s1  }
0x54: {  	s1 =	sshrl.u32 s0, $0x1  }
0x55: {  	s0 =	ssub.s32 s0, s1  }
0x56: {  	s0 =	smax.u32 s0, $0x1  }
0x57: {  	[sflag:s17] =	ssyncset.done $0x0;
	p0 =	sne.s32 s0, $0x1  }
.Ltmp0:
0x58: {  	[sflag:s17] =	ssyncadd.s32 $0xFFFFC000;
	(pc) =	sbr.rel @!p0 .LBB2_2-.Ltmp0, $4  }
0x59: {  	_ =	swait.ge [sflag:s21], $0x4000  }
0x5a: {  	[sflag:s21] =	ssyncset.done $0x0  }
0x5b: {  	[sflag:s21] =	ssyncadd.s32 $0xFFFFC000  }
0x5c: {  	s1 =	sadd.s32 $0xFFFFFFFF, s0;
	_ =	swait.ge [sflag:s25], $0x4000  }
.LBB2_1:
0x5d: {  	[sflag:s25] =	ssyncset.done $0x0  }
0x5e: {  	s0 =	rddreg [dreg:$0x6];
	[sflag:s25] =	ssyncadd.s32 $0xFFFFC000  }
0x5f: {  	[tilespmem:s4], [sflag:$0x9] =	stream.linear.gather [hbm4b:s0+s4], $0x200, $0x38;
	[tilespmem:$0x10400] =	vst v63  }
0x60: {  	_ =	swait.ge [sflag:s5], $0x200  }
0x61: {  	[sflag:s5] =	ssyncset.done $0x0  }
0x62: {  	s0 =	rddreg [dreg:$0x7];
	[sflag:s5] =	ssyncadd.s32 $0xFFFFFE00  }
0x63: {  	[tilespmem:s6], [sflag:$0x9] =	stream.linear.gather [hbm4b:s0+s4], $0x200, $0x38;
	[tilespmem:$0x10400] =	vst v63  }
0x64: {  	_ =	swait.ge [sflag:s5], $0x200  }
0x65: {  	[sflag:s5] =	ssyncset.done $0x0  }
0x66: {  	[sflag:s5] =	ssyncadd.s32 $0xFFFFFE00  }
0x67: {  	[tilespmem:s8], [sflag:$0x1] =	stream.indirect.gather [hbm4b:s2+s7], $0x80, s4, s7, $0xb8;
	[tilespmem:$0x10400] =	vst v63  }
0x68: {  	_ = 	snop  }
0x69: {  	[tilespmem:s9], [sflag:$0x2] =	stream.indirect.gather [hbm4b:s2+s7], $0x80, s7, s7, $0xb8;
	[tilespmem:$0x10400] =	vst v63  }
0x6a: {  	_ = 	snop  }
0x6b: {  	[tilespmem:s11], [sflag:$0x3] =	stream.indirect.gather [hbm4b:s2+s7], $0x80, s10, s7, $0xb8;
	[tilespmem:$0x10400] =	vst v63  }
0x6c: {  	_ = 	snop  }
0x6d: {  	[tilespmem:s13], [sflag:$0x4] =	stream.indirect.gather [hbm4b:s2+s7], $0x80, s12, s7, $0xb8;
	[tilespmem:$0x10400] =	vst v63  }
0x6e: {  	_ =	swait.ge [sflag:s14], $0x4000  }
0x6f: {  	[sflag:s14] =	ssyncset.done $0x0  }
0x70: {  	s0 =	rddreg [dreg:$0x8];
	[sflag:s14] =	ssyncadd.s32 $0xFFFFC000  }
0x71: {  	[hbm4b:s0+s4] =	stream.linear.scatter [tilespmem:s8], [sflag:$0x5], $0x4000, $0x38;
	[tilespmem:$0x10400] =	vst v63  }
0x72: {  	_ =	swait.ge [sflag:s15], $0x4000  }
0x73: {  	[sflag:s15] =	ssyncset.done $0x0  }
0x74: {  	[sflag:s15] =	ssyncadd.s32 $0xFFFFC000  }
0x75: {  	[tilespmem:s8], [sflag:$0x1] =	stream.indirect.gather [hbm4b:s3+s7], $0x80, s6, s7, $0xb8;
	[tilespmem:$0x10400] =	vst v63  }
0x76: {  	_ =	swait.ge [sflag:s16], $0x4000  }
0x77: {  	[sflag:s16] =	ssyncset.done $0x0  }
0x78: {  	s0 =	rddreg [dreg:$0x9];
	[sflag:s16] =	ssyncadd.s32 $0xFFFFC000  }
0x79: {  	[hbm4b:s0+s4] =	stream.linear.scatter [tilespmem:s9], [sflag:$0x6], $0x4000, $0x38;
	[tilespmem:$0x10400] =	vst v63  }
0x7a: {  	_ =	swait.ge [sflag:s17], $0x4000  }
0x7b: {  	[sflag:s17] =	ssyncset.done $0x0  }
0x7c: {  	[sflag:s17] =	ssyncadd.s32 $0xFFFFC000  }
0x7d: {  	[tilespmem:s9], [sflag:$0x2] =	stream.indirect.gather [hbm4b:s3+s7], $0x80, s18, s7, $0xb8;
	[tilespmem:$0x10400] =	vst v63  }
0x7e: {  	_ =	swait.ge [sflag:s19], $0x4000  }
0x7f: {  	[sflag:s19] =	ssyncset.done $0x0  }
0x80: {  	[sflag:s19] =	ssyncadd.s32 $0xFFFFC000  }
0x81: {  	[hbm4b:s20+s4] =	stream.linear.scatter [tilespmem:s11], [sflag:$0x7], $0x4000, $0x38;
	[tilespmem:$0x10400] =	vst v63  }
0x82: {  	_ =	swait.ge [sflag:s21], $0x4000  }
0x83: {  	[sflag:s21] =	ssyncset.done $0x0  }
0x84: {  	[sflag:s21] =	ssyncadd.s32 $0xFFFFC000  }
0x85: {  	[tilespmem:s11], [sflag:$0x3] =	stream.indirect.gather [hbm4b:s3+s7], $0x80, s22, s7, $0xb8;
	[tilespmem:$0x10400] =	vst v63  }
0x86: {  	_ =	swait.ge [sflag:s23], $0x4000  }
0x87: {  	[sflag:s23] =	ssyncset.done $0x0  }
0x88: {  	[sflag:s23] =	ssyncadd.s32 $0xFFFFC000  }
0x89: {  	[hbm4b:s24+s4] =	stream.linear.scatter [tilespmem:s13], [sflag:$0x8], $0x4000, $0x38;
	[tilespmem:$0x10400] =	vst v63  }
0x8a: {  	_ =	swait.ge [sflag:s25], $0x4000  }
0x8b: {  	[sflag:s25] =	ssyncset.done $0x0  }
0x8c: {  	[sflag:s25] =	ssyncadd.s32 $0xFFFFC000  }
0x8d: {  	[tilespmem:s13], [sflag:$0x4] =	stream.indirect.gather [hbm4b:s3+s7], $0x80, s26, s7, $0xb8;
	[tilespmem:$0x10400] =	vst v63  }
0x8e: {  	_ =	swait.ge [sflag:s14], $0x4000  }
0x8f: {  	[sflag:s14] =	ssyncset.done $0x0  }
0x90: {  	[sflag:s14] =	ssyncadd.s32 $0xFFFFC000  }
0x91: {  	[hbm4b:s28+s4] =	stream.linear.scatter [tilespmem:s8], [sflag:$0x5], $0x4000, $0x38;
	[tilespmem:$0x10400] =	vst v63  }
0x92: {  	_ =	swait.ge [sflag:s16], $0x4000  }
0x93: {  	[sflag:s16] =	ssyncset.done $0x0  }
0x94: {  	[sflag:s16] =	ssyncadd.s32 $0xFFFFC000  }
0x95: {  	[hbm4b:s29+s4] =	stream.linear.scatter [tilespmem:s9], [sflag:$0x6], $0x4000, $0x38;
	[tilespmem:$0x10400] =	vst v63  }
0x96: {  	_ =	swait.ge [sflag:s19], $0x4000  }
0x97: {  	[sflag:s19] =	ssyncset.done $0x0  }
0x98: {  	[sflag:s19] =	ssyncadd.s32 $0xFFFFC000  }
0x99: {  	[hbm4b:s30+s4] =	stream.linear.scatter [tilespmem:s11], [sflag:$0x7], $0x4000, $0x38;
	[tilespmem:$0x10400] =	vst v63  }
0x9a: {  	_ =	swait.ge [sflag:s23], $0x4000  }
0x9b: {  	[sflag:s23] =	ssyncset.done $0x0  }
0x9c: {  	[sflag:s23] =	ssyncadd.s32 $0xFFFFC000  }
0x9d: {  	[hbm4b:s31+s4] =	stream.linear.scatter [tilespmem:s13], [sflag:$0x8], $0x4000, $0x38;
	[tilespmem:$0x10400] =	vst v63  }
0x9e: {  	_ =	swait.ge [sflag:s15], $0x4000  }
0x9f: {  	[sflag:s15] =	ssyncset.done $0x0  }
0xa0: {  	[sflag:s15] =	ssyncadd.s32 $0xFFFFC000  }
0xa1: {  	_ =	swait.ge [sflag:s17], $0x4000  }
0xa2: {  	p0 =	sne.s32 s1, $0x1;
	[sflag:s17] =	ssyncset.done $0x0  }
.Ltmp1:
0xa3: {  	[sflag:s17] =	ssyncadd.s32 $0xFFFFC000;
	(pc) =	sbr.rel @p0 .LBB2_1-.Ltmp1, $4  }
0xa4: {  	_ =	swait.ge [sflag:s21], $0x4000  }
0xa5: {  	[sflag:s21] =	ssyncset.done $0x0  }
0xa6: {  	[sflag:s21] =	ssyncadd.s32 $0xFFFFC000  }
0xa7: {  	s1 =	sadd.s32 $0xFFFFFFFF, s1;
	_ =	swait.ge [sflag:s25], $0x4000  }
.LBB2_2:
0xa8: {  	[sflag:s25] =	ssyncset.done $0x0  }
0xa9: {  	[sflag:s25] =	ssyncadd.s32 $0xFFFFC000  }
0xaa: {  	_ =	sfence.sel $0x180000  }
0xab: {  	[bflag:$0x0] =	sbarrier.arrive $0xFFFF  }
0xac: {  	_ =	strace $0x90000047  }
0xad: {  	s0 =	stileid.u32;
	[bflag:$0x2] =	sbarrier.arrive $0xFFFF  }
0xae: {  	p0 =	sne.s32 s0, $0x0;
	s0 =	rddreg [dreg:$0x5]  }
0xaf: {  	s0 =	sadd.s32 @!p0 $0x100000, s0  }
0xb0: {  	[sflag:s0] =	ssyncadd.tile.s32 @!p0 $0x1;
	_ =	shalt  }
.Lfunc_end2:
_tile_overlayer_lowered:
.L_overlay_start_2:
0xb1: {  	(tag) =	ssettag $0x2  }
0xb2: {  	s0 =	rddreg [dreg:$0x0];
	s2 =	stileid.u32  }
0xb3: {  	s1 =	rddreg [dreg:$0x1];
	p0 =	sne.s32 s2, $0x0  }
0xb4: {  	s3 =	rddreg [dreg:$0x2];
	[bflag:$0x3] =	sbarrier.arrive $0xFFFF;
	s2 =	simm.s32 @!p0 $0x1C09  }
0xb5: {  	[timem:s3], [sflag:s2] =	dma.local @!p0 [hbm:s0], s1  }
0xb6: {  	s0 =	simm.s32 @!p0 $0x9  }
0xb7: {  	_ =	swait.ge @!p0 [sflag:s0], s1  }
0xb8: {  	s1 =	ssub.s32 @!p0 $0x0, s1;
	[sflag:s0] =	ssyncset.done @!p0 $0x0  }
0xb9: {  	[sflag:s0] =	ssyncadd.s32 @!p0 s1  }
0xba: {  	[bflag:$0x3] =	sbarrier.arrive $0xFFFF  }
0xbb: {  	_ =	shalt  }

</sc_bundles>
